<compile_context>
chip_gen: v7x
topology: tpu7x:2x2x1
jax: 0.10.2.dev20260603
libtpu: 0.0.44.dev20260713+nightly
codegen_flags: <defaults>
</compile_context>

<pallas_src>
import functools

import jax
import jax.numpy as jnp
from jax import lax
from jax.experimental import pallas as pl
from jax.experimental.pallas import tpu as pltpu
from jax.experimental.pallas import tpu_sc as plsc

VOCAB = 50257
EMBED_DIM = 768
EPS = 1e-12

_NC = 2
_NS = 16
_NW = _NC * _NS

_CHUNK = 32
_NBUF = 4


def _normalize_body(x_ref, o_ref):
    x = x_ref[...]
    ssq = jnp.sum(x * x, axis=1, keepdims=True)
    o_ref[...] = x / jnp.maximum(jnp.sqrt(ssq), EPS)


def _normalize_table(table):
    rows, d = table.shape
    br = 1024
    return pl.pallas_call(
        _normalize_body,
        grid=(pl.cdiv(rows, br),),
        in_specs=[pl.BlockSpec((br, d), lambda i: (i, 0))],
        out_specs=pl.BlockSpec((br, d), lambda i: (i, 0)),
        out_shape=jax.ShapeDtypeStruct((rows, d), table.dtype),
    )(table)


def _gather_body(n_chunks, ids_hbm, tab_hbm, out_hbm, idx_all,
                 rows0, rows1, rows2, rows3,
                 gsem0, gsem1, gsem2, gsem3,
                 osem0, osem1, osem2, osem3):
    wid = lax.axis_index("s") * _NC + lax.axis_index("c")
    per_w = n_chunks * _CHUNK
    base = wid * per_w

    rows_l = (rows0, rows1, rows2, rows3)
    gsem_l = (gsem0, gsem1, gsem2, gsem3)
    osem_l = (osem0, osem1, osem2, osem3)

    pltpu.sync_copy(ids_hbm.at[pl.ds(base, per_w)], idx_all)

    def gather_cp(g, b):
        idx_view = idx_all.at[pl.ds(g * _CHUNK, _CHUNK)]
        return pltpu.make_async_copy(tab_hbm.at[idx_view], rows_l[b], gsem_l[b])

    def write_cp(g, b):
        out_view = out_hbm.at[pl.ds(base + g * _CHUNK, _CHUNK)]
        return pltpu.make_async_copy(rows_l[b], out_view, osem_l[b])

    for b in range(_NBUF - 1):
        gather_cp(b, b).start()

    def step(i, _):
        for b in range(_NBUF):
            g = i * _NBUF + b
            pb = (b - 1) % _NBUF
            gather_cp(g, b).wait()
            write_cp(g, b).start()

            @pl.when(g >= 1)
            def _():
                write_cp(g - 1, pb).wait()

            nxt = g + _NBUF - 1

            @pl.when(nxt < n_chunks)
            def _():
                gather_cp(nxt, pb).start()

        return _

    lax.fori_loop(0, n_chunks // _NBUF, step, None)
    write_cp(n_chunks - 1, (n_chunks - 1) % _NBUF).wait()


def _gather_rows(table_n, flat_ids):
    b_tot = flat_ids.shape[0]
    d = table_n.shape[1]
    per_w = b_tot // _NW
    n_chunks = per_w // _CHUNK

    mesh = plsc.VectorSubcoreMesh(
        core_axis_name="c", subcore_axis_name="s",
        num_cores=_NC, num_subcores=_NS)

    grab = pl.kernel(
        functools.partial(_gather_body, n_chunks),
        out_type=jax.ShapeDtypeStruct((b_tot, d), jnp.float32),
        mesh=mesh,
        scratch_types=(
            [pltpu.VMEM((per_w,), jnp.int32)]
            + [pltpu.VMEM((_CHUNK, d), jnp.float32)] * _NBUF
            + [pltpu.SemaphoreType.DMA] * (2 * _NBUF)
        ),
    )
    return grab(flat_ids, table_n)


def kernel(token_ids, table):
    bsz, seq = token_ids.shape
    table_n = _normalize_table(table)
    flat_ids = token_ids.reshape(-1).astype(jnp.int32)
    out = _gather_rows(table_n, flat_ids)
    return out.reshape(bsz, seq, EMBED_DIM)

# --- scband reference (transcript-rebuilt; emitter-appended) ---
"""Pipeline reference for scband-embedder-wrapper-85555748536998 (READ-ONLY COPY).

The authoritative reference and input builder live on the scoring server;
editing this copy changes nothing except your own understanding.
"""

import jax, jax.numpy as jnp
import numpy as np

VOCAB = 50257
EMBED_DIM = 768


def _normalize_sphere(x, eps=1e-12):
    # Equivalent of F.normalize(x, p=2, dim=-1): project onto unit sphere.
    norm = jnp.sqrt(jnp.sum(x * x, axis=-1, keepdims=True))
    return x / jnp.maximum(norm, eps)


def setup_inputs(seed: int = 0) -> dict:
    key = jax.random.key(seed)
    k_ids, k_tab = jax.random.split(key)
    token_ids = jax.random.randint(k_ids, (4096, 200), 0, VOCAB, dtype=jnp.int64)
    # Learned parameter: pretrained-style embedding table (GPT-2 shape).
    table = jax.random.normal(k_tab, (VOCAB, EMBED_DIM), dtype=jnp.float32) * 0.02
    return {"token_ids": token_ids, "table": table}


def reference(token_ids, table):
    # Embedding lookup (gather) followed by sphere normalization.
    emb = jnp.take(table, token_ids, axis=0)  # [B, L, D]
    return _normalize_sphere(emb)

if __name__ == "__main__":
    import jax
    _d = setup_inputs()
    print(jax.jit(kernel)(*tuple(_d.values())))

</pallas_src>

<mosaic_0001>
#map = affine_map<(d0, d1) -> (0)>
#map1 = affine_map<(d0, d1) -> (0, 0)>
module attributes {stable_mosaic.version = 14 : i64} {
  func.func @_gather_body(%arg0: i32, %arg1: i32, %arg2: memref<819200xi32, #tpu.memory_space<hbm>>, %arg3: memref<50257x768xf32, #tpu.memory_space<hbm>>, %arg4: memref<819200x768xf32, #tpu.memory_space<hbm>>, %arg5: memref<25600xi32, #tpu.memory_space<vmem>>, %arg6: memref<32x768xf32, #tpu.memory_space<vmem>>, %arg7: memref<32x768xf32, #tpu.memory_space<vmem>>, %arg8: memref<32x768xf32, #tpu.memory_space<vmem>>, %arg9: memref<32x768xf32, #tpu.memory_space<vmem>>, %arg10: memref<!tpu.dma_semaphore, #tpu.memory_space<semaphore_mem>>, %arg11: memref<!tpu.dma_semaphore, #tpu.memory_space<semaphore_mem>>, %arg12: memref<!tpu.dma_semaphore, #tpu.memory_space<semaphore_mem>>, %arg13: memref<!tpu.dma_semaphore, #tpu.memory_space<semaphore_mem>>, %arg14: memref<!tpu.dma_semaphore, #tpu.memory_space<semaphore_mem>>, %arg15: memref<!tpu.dma_semaphore, #tpu.memory_space<semaphore_mem>>, %arg16: memref<!tpu.dma_semaphore, #tpu.memory_space<semaphore_mem>>, %arg17: memref<!tpu.dma_semaphore, #tpu.memory_space<semaphore_mem>>) attributes {dimension_semantics = [#tpu.dimension_semantics<core_parallel>, #tpu.dimension_semantics<subcore_parallel>], iteration_bounds = array<i64: 2, 16>, scalar_prefetch = 0 : i64, scratch_operands = 13 : i64, tpu.core_type = #tpu.core_type<sc_vector_subcore>, window_params = [{transform_indices = #map}, {transform_indices = #map1}, {transform_indices = #map1}]} {
    %mul3A = arith.constant 2 : i32
    %mul3A_0 = arith.muli %arg1, %mul3A : i32
    %add3A = arith.addi %mul3A_0, %arg0 : i32
    %mul3A_1 = arith.constant 25600 : i32
    %mul3A_2 = arith.muli %add3A, %mul3A_1 : i32
    "tpu.region"() ({
      %run_scoped3A = tpu.sem_alloc : memref<!tpu.dma_semaphore, #tpu.memory_space<semaphore_mem>>
      %dma_start3A_26 = tpu.memref_slice %arg2[%mul3A_2] : memref<819200xi32, #tpu.memory_space<hbm>> -> memref<25600xi32, #tpu.memory_space<hbm>>
      %dma_start3A_27 = tpu.memref_slice %arg2[%mul3A_2] : memref<819200xi32, #tpu.memory_space<hbm>> -> memref<25600xi32, #tpu.memory_space<hbm>>
      tpu.enqueue_dma source(%dma_start3A_27 : memref<25600xi32, #tpu.memory_space<hbm>>) target(%arg5 : memref<25600xi32, #tpu.memory_space<vmem>>) target_semaphore(%run_scoped3A : memref<!tpu.dma_semaphore, #tpu.memory_space<semaphore_mem>>)
      %dma_wait3A_28 = tpu.memref_slice %arg2[%mul3A_2] : memref<819200xi32, #tpu.memory_space<hbm>> -> memref<25600xi32, #tpu.memory_space<hbm>>
      %dma_wait3A_29 = tpu.memref_slice %arg2[%mul3A_2] : memref<819200xi32, #tpu.memory_space<hbm>> -> memref<25600xi32, #tpu.memory_space<hbm>>
      tpu.wait_dma2 semaphore(%run_scoped3A : memref<!tpu.dma_semaphore, #tpu.memory_space<semaphore_mem>>) src(%dma_wait3A_29 : memref<25600xi32, #tpu.memory_space<hbm>>) dst(%arg5 : memref<25600xi32, #tpu.memory_space<vmem>>)
      tpu.yield
    }) : () -> ()
    %dma_start3A = arith.constant 0 : i32
    %dma_start3A_3 = tpu.memref_slice %arg5[%dma_start3A] : memref<25600xi32, #tpu.memory_space<vmem>> -> memref<32xi32, #tpu.memory_space<vmem>>
    %dma_start3A_4 = arith.constant 0 : i32
    %dma_start3A_5 = arith.constant 0 : i32
    %dma_start3A_6 = tpu.memref_slice %arg3[%dma_start3A_4, %dma_start3A_5] : memref<50257x768xf32, #tpu.memory_space<hbm>> -> memref<50257x768xf32, #tpu.memory_space<hbm>>
    tpu.enqueue_indirect_dma source(%dma_start3A_6 : memref<50257x768xf32, #tpu.memory_space<hbm>>) target(%arg6 : memref<32x768xf32, #tpu.memory_space<vmem>>) offsets(%dma_start3A_3 : memref<32xi32, #tpu.memory_space<vmem>>) semaphore(%arg10 : memref<!tpu.dma_semaphore, #tpu.memory_space<semaphore_mem>>)
    %dma_start3A_7 = arith.constant 32 : i32
    %dma_start3A_8 = tpu.memref_slice %arg5[%dma_start3A_7] : memref<25600xi32, #tpu.memory_space<vmem>> -> memref<32xi32, #tpu.memory_space<vmem>>
    %dma_start3A_9 = arith.constant 0 : i32
    %dma_start3A_10 = arith.constant 0 : i32
    %dma_start3A_11 = tpu.memref_slice %arg3[%dma_start3A_9, %dma_start3A_10] : memref<50257x768xf32, #tpu.memory_space<hbm>> -> memref<50257x768xf32, #tpu.memory_space<hbm>>
    tpu.enqueue_indirect_dma source(%dma_start3A_11 : memref<50257x768xf32, #tpu.memory_space<hbm>>) target(%arg7 : memref<32x768xf32, #tpu.memory_space<vmem>>) offsets(%dma_start3A_8 : memref<32xi32, #tpu.memory_space<vmem>>) semaphore(%arg11 : memref<!tpu.dma_semaphore, #tpu.memory_space<semaphore_mem>>)
    %dma_start3A_12 = arith.constant 64 : i32
    %dma_start3A_13 = tpu.memref_slice %arg5[%dma_start3A_12] : memref<25600xi32, #tpu.memory_space<vmem>> -> memref<32xi32, #tpu.memory_space<vmem>>
    %dma_start3A_14 = arith.constant 0 : i32
    %dma_start3A_15 = arith.constant 0 : i32
    %dma_start3A_16 = tpu.memref_slice %arg3[%dma_start3A_14, %dma_start3A_15] : memref<50257x768xf32, #tpu.memory_space<hbm>> -> memref<50257x768xf32, #tpu.memory_space<hbm>>
    tpu.enqueue_indirect_dma source(%dma_start3A_16 : memref<50257x768xf32, #tpu.memory_space<hbm>>) target(%arg8 : memref<32x768xf32, #tpu.memory_space<vmem>>) offsets(%dma_start3A_13 : memref<32xi32, #tpu.memory_space<vmem>>) semaphore(%arg12 : memref<!tpu.dma_semaphore, #tpu.memory_space<semaphore_mem>>)
    %scan3A = arith.constant 0 : i32
    %scan3A_17 = arith.constant 200 : i32
    %scan3A_18 = arith.addi %scan3A, %scan3A_17 : i32
    %scan3A_19 = arith.constant 1 : i32
    scf.for %scan3A_26 = %scan3A to %scan3A_18 step %scan3A_19  : i32 {
      %mul3A_27 = arith.constant 4 : i32
      %mul3A_28 = arith.muli %scan3A_26, %mul3A_27 : i32
      %add3A_29 = arith.constant 0 : i32
      %add3A_30 = arith.addi %mul3A_28, %add3A_29 : i32
      %mul3A_31 = arith.constant 32 : i32
      %mul3A_32 = arith.muli %add3A_30, %mul3A_31 : i32
      %dma_wait3A_33 = tpu.memref_slice %arg5[%mul3A_32] : memref<25600xi32, #tpu.memory_space<vmem>> -> memref<32xi32, #tpu.memory_space<vmem>>
      %dma_wait3A_34 = arith.constant 0 : i32
      %dma_wait3A_35 = arith.constant 0 : i32
      %dma_wait3A_36 = tpu.memref_slice %arg3[%dma_wait3A_34, %dma_wait3A_35] : memref<50257x768xf32, #tpu.memory_space<hbm>> -> memref<50257x768xf32, #tpu.memory_space<hbm>>
      tpu.wait_indirect_dma semaphore(%arg10 : memref<!tpu.dma_semaphore, #tpu.memory_space<semaphore_mem>>) src(%dma_wait3A_36 : memref<50257x768xf32, #tpu.memory_space<hbm>>) dst(%arg6 : memref<32x768xf32, #tpu.memory_space<vmem>>)
      %mul3A_37 = arith.constant 32 : i32
      %mul3A_38 = arith.muli %add3A_30, %mul3A_37 : i32
      %add3A_39 = arith.addi %mul3A_2, %mul3A_38 : i32
      %dma_start3A_40 = arith.constant 0 : i32
      %dma_start3A_41 = tpu.memref_slice %arg4[%add3A_39, %dma_start3A_40] : memref<819200x768xf32, #tpu.memory_space<hbm>> -> memref<32x768xf32, #tpu.memory_space<hbm>>
      %dma_start3A_42 = arith.constant 0 : i32
      %dma_start3A_43 = tpu.memref_slice %arg4[%add3A_39, %dma_start3A_42] : memref<819200x768xf32, #tpu.memory_space<hbm>> -> memref<32x768xf32, #tpu.memory_space<hbm>>
      tpu.enqueue_dma source(%arg6 : memref<32x768xf32, #tpu.memory_space<vmem>>) target(%dma_start3A_43 : memref<32x768xf32, #tpu.memory_space<hbm>>) target_semaphore(%arg14 : memref<!tpu.dma_semaphore, #tpu.memory_space<semaphore_mem>>)
      %ge3A = arith.constant 1 : i32
      %ge3A_44 = arith.cmpi sge, %add3A_30, %ge3A : i32
      %convert_element_type3A = arith.extui %ge3A_44 : i1 to i32
      %cond3A = arith.constant 0 : i32
      %cond3A_45 = arith.cmpi ne, %convert_element_type3A, %cond3A : i32
      scf.if %cond3A_45 {
        %sub3A_146 = arith.constant 1 : i32
        %sub3A_147 = arith.subi %add3A_30, %sub3A_146 : i32
        %mul3A_148 = arith.constant 32 : i32
        %mul3A_149 = arith.muli %sub3A_147, %mul3A_148 : i32
        %add3A_150 = arith.addi %mul3A_2, %mul3A_149 : i32
        %dma_wait3A_151 = arith.constant 0 : i32
        %dma_wait3A_152 = tpu.memref_slice %arg4[%add3A_150, %dma_wait3A_151] : memref<819200x768xf32, #tpu.memory_space<hbm>> -> memref<32x768xf32, #tpu.memory_space<hbm>>
        %dma_wait3A_153 = arith.constant 0 : i32
        %dma_wait3A_154 = tpu.memref_slice %arg4[%add3A_150, %dma_wait3A_153] : memref<819200x768xf32, #tpu.memory_space<hbm>> -> memref<32x768xf32, #tpu.memory_space<hbm>>
        tpu.wait_dma2 semaphore(%arg17 : memref<!tpu.dma_semaphore, #tpu.memory_space<semaphore_mem>>) src(%arg9 : memref<32x768xf32, #tpu.memory_space<vmem>>) dst(%dma_wait3A_154 : memref<32x768xf32, #tpu.memory_space<hbm>>)
      } else {
      }
      %add3A_46 = arith.constant 4 : i32
      %add3A_47 = arith.addi %add3A_30, %add3A_46 : i32
      %sub3A = arith.constant 1 : i32
      %sub3A_48 = arith.subi %add3A_47, %sub3A : i32
      %lt3A = arith.constant 800 : i32
      %lt3A_49 = arith.cmpi slt, %sub3A_48, %lt3A : i32
      %convert_element_type3A_50 = arith.extui %lt3A_49 : i1 to i32
      %cond3A_51 = arith.constant 0 : i32
      %cond3A_52 = arith.cmpi ne, %convert_element_type3A_50, %cond3A_51 : i32
      scf.if %cond3A_52 {
        %mul3A_146 = arith.constant 32 : i32
        %mul3A_147 = arith.muli %sub3A_48, %mul3A_146 : i32
        %dma_start3A_148 = tpu.memref_slice %arg5[%mul3A_147] : memref<25600xi32, #tpu.memory_space<vmem>> -> memref<32xi32, #tpu.memory_space<vmem>>
        %dma_start3A_149 = arith.constant 0 : i32
        %dma_start3A_150 = arith.constant 0 : i32
        %dma_start3A_151 = tpu.memref_slice %arg3[%dma_start3A_149, %dma_start3A_150] : memref<50257x768xf32, #tpu.memory_space<hbm>> -> memref<50257x768xf32, #tpu.memory_space<hbm>>
        tpu.enqueue_indirect_dma source(%dma_start3A_151 : memref<50257x768xf32, #tpu.memory_space<hbm>>) target(%arg9 : memref<32x768xf32, #tpu.memory_space<vmem>>) offsets(%dma_start3A_148 : memref<32xi32, #tpu.memory_space<vmem>>) semaphore(%arg13 : memref<!tpu.dma_semaphore, #tpu.memory_space<semaphore_mem>>)
      } else {
      }
      %mul3A_53 = arith.constant 4 : i32
      %mul3A_54 = arith.muli %scan3A_26, %mul3A_53 : i32
      %add3A_55 = arith.constant 1 : i32
      %add3A_56 = arith.addi %mul3A_54, %add3A_55 : i32
      %mul3A_57 = arith.constant 32 : i32
      %mul3A_58 = arith.muli %add3A_56, %mul3A_57 : i32
      %dma_wait3A_59 = tpu.memref_slice %arg5[%mul3A_58] : memref<25600xi32, #tpu.memory_space<vmem>> -> memref<32xi32, #tpu.memory_space<vmem>>
      %dma_wait3A_60 = arith.constant 0 : i32
      %dma_wait3A_61 = arith.constant 0 : i32
      %dma_wait3A_62 = tpu.memref_slice %arg3[%dma_wait3A_60, %dma_wait3A_61] : memref<50257x768xf32, #tpu.memory_space<hbm>> -> memref<50257x768xf32, #tpu.memory_space<hbm>>
      tpu.wait_indirect_dma semaphore(%arg11 : memref<!tpu.dma_semaphore, #tpu.memory_space<semaphore_mem>>) src(%dma_wait3A_62 : memref<50257x768xf32, #tpu.memory_space<hbm>>) dst(%arg7 : memref<32x768xf32, #tpu.memory_space<vmem>>)
      %mul3A_63 = arith.constant 32 : i32
      %mul3A_64 = arith.muli %add3A_56, %mul3A_63 : i32
      %add3A_65 = arith.addi %mul3A_2, %mul3A_64 : i32
      %dma_start3A_66 = arith.constant 0 : i32
      %dma_start3A_67 = tpu.memref_slice %arg4[%add3A_65, %dma_start3A_66] : memref<819200x768xf32, #tpu.memory_space<hbm>> -> memref<32x768xf32, #tpu.memory_space<hbm>>
      %dma_start3A_68 = arith.constant 0 : i32
      %dma_start3A_69 = tpu.memref_slice %arg4[%add3A_65, %dma_start3A_68] : memref<819200x768xf32, #tpu.memory_space<hbm>> -> memref<32x768xf32, #tpu.memory_space<hbm>>
      tpu.enqueue_dma source(%arg7 : memref<32x768xf32, #tpu.memory_space<vmem>>) target(%dma_start3A_69 : memref<32x768xf32, #tpu.memory_space<hbm>>) target_semaphore(%arg15 : memref<!tpu.dma_semaphore, #tpu.memory_space<semaphore_mem>>)
      %ge3A_70 = arith.constant 1 : i32
      %ge3A_71 = arith.cmpi sge, %add3A_56, %ge3A_70 : i32
      %convert_element_type3A_72 = arith.extui %ge3A_71 : i1 to i32
      %cond3A_73 = arith.constant 0 : i32
      %cond3A_74 = arith.cmpi ne, %convert_element_type3A_72, %cond3A_73 : i32
      scf.if %cond3A_74 {
        %sub3A_146 = arith.constant 1 : i32
        %sub3A_147 = arith.subi %add3A_56, %sub3A_146 : i32
        %mul3A_148 = arith.constant 32 : i32
        %mul3A_149 = arith.muli %sub3A_147, %mul3A_148 : i32
        %add3A_150 = arith.addi %mul3A_2, %mul3A_149 : i32
        %dma_wait3A_151 = arith.constant 0 : i32
        %dma_wait3A_152 = tpu.memref_slice %arg4[%add3A_150, %dma_wait3A_151] : memref<819200x768xf32, #tpu.memory_space<hbm>> -> memref<32x768xf32, #tpu.memory_space<hbm>>
        %dma_wait3A_153 = arith.constant 0 : i32
        %dma_wait3A_154 = tpu.memref_slice %arg4[%add3A_150, %dma_wait3A_153] : memref<819200x768xf32, #tpu.memory_space<hbm>> -> memref<32x768xf32, #tpu.memory_space<hbm>>
        tpu.wait_dma2 semaphore(%arg14 : memref<!tpu.dma_semaphore, #tpu.memory_space<semaphore_mem>>) src(%arg6 : memref<32x768xf32, #tpu.memory_space<vmem>>) dst(%dma_wait3A_154 : memref<32x768xf32, #tpu.memory_space<hbm>>)
      } else {
      }
      %add3A_75 = arith.constant 4 : i32
      %add3A_76 = arith.addi %add3A_56, %add3A_75 : i32
      %sub3A_77 = arith.constant 1 : i32
      %sub3A_78 = arith.subi %add3A_76, %sub3A_77 : i32
      %lt3A_79 = arith.constant 800 : i32
      %lt3A_80 = arith.cmpi slt, %sub3A_78, %lt3A_79 : i32
      %convert_element_type3A_81 = arith.extui %lt3A_80 : i1 to i32
      %cond3A_82 = arith.constant 0 : i32
      %cond3A_83 = arith.cmpi ne, %convert_element_type3A_81, %cond3A_82 : i32
      scf.if %cond3A_83 {
        %mul3A_146 = arith.constant 32 : i32
        %mul3A_147 = arith.muli %sub3A_78, %mul3A_146 : i32
        %dma_start3A_148 = tpu.memref_slice %arg5[%mul3A_147] : memref<25600xi32, #tpu.memory_space<vmem>> -> memref<32xi32, #tpu.memory_space<vmem>>
        %dma_start3A_149 = arith.constant 0 : i32
        %dma_start3A_150 = arith.constant 0 : i32
        %dma_start3A_151 = tpu.memref_slice %arg3[%dma_start3A_149, %dma_start3A_150] : memref<50257x768xf32, #tpu.memory_space<hbm>> -> memref<50257x768xf32, #tpu.memory_space<hbm>>
        tpu.enqueue_indirect_dma source(%dma_start3A_151 : memref<50257x768xf32, #tpu.memory_space<hbm>>) target(%arg6 : memref<32x768xf32, #tpu.memory_space<vmem>>) offsets(%dma_start3A_148 : memref<32xi32, #tpu.memory_space<vmem>>) semaphore(%arg10 : memref<!tpu.dma_semaphore, #tpu.memory_space<semaphore_mem>>)
      } else {
      }
      %mul3A_84 = arith.constant 4 : i32
      %mul3A_85 = arith.muli %scan3A_26, %mul3A_84 : i32
      %add3A_86 = arith.constant 2 : i32
      %add3A_87 = arith.addi %mul3A_85, %add3A_86 : i32
      %mul3A_88 = arith.constant 32 : i32
      %mul3A_89 = arith.muli %add3A_87, %mul3A_88 : i32
      %dma_wait3A_90 = tpu.memref_slice %arg5[%mul3A_89] : memref<25600xi32, #tpu.memory_space<vmem>> -> memref<32xi32, #tpu.memory_space<vmem>>
      %dma_wait3A_91 = arith.constant 0 : i32
      %dma_wait3A_92 = arith.constant 0 : i32
      %dma_wait3A_93 = tpu.memref_slice %arg3[%dma_wait3A_91, %dma_wait3A_92] : memref<50257x768xf32, #tpu.memory_space<hbm>> -> memref<50257x768xf32, #tpu.memory_space<hbm>>
      tpu.wait_indirect_dma semaphore(%arg12 : memref<!tpu.dma_semaphore, #tpu.memory_space<semaphore_mem>>) src(%dma_wait3A_93 : memref<50257x768xf32, #tpu.memory_space<hbm>>) dst(%arg8 : memref<32x768xf32, #tpu.memory_space<vmem>>)
      %mul3A_94 = arith.constant 32 : i32
      %mul3A_95 = arith.muli %add3A_87, %mul3A_94 : i32
      %add3A_96 = arith.addi %mul3A_2, %mul3A_95 : i32
      %dma_start3A_97 = arith.constant 0 : i32
      %dma_start3A_98 = tpu.memref_slice %arg4[%add3A_96, %dma_start3A_97] : memref<819200x768xf32, #tpu.memory_space<hbm>> -> memref<32x768xf32, #tpu.memory_space<hbm>>
      %dma_start3A_99 = arith.constant 0 : i32
      %dma_start3A_100 = tpu.memref_slice %arg4[%add3A_96, %dma_start3A_99] : memref<819200x768xf32, #tpu.memory_space<hbm>> -> memref<32x768xf32, #tpu.memory_space<hbm>>
      tpu.enqueue_dma source(%arg8 : memref<32x768xf32, #tpu.memory_space<vmem>>) target(%dma_start3A_100 : memref<32x768xf32, #tpu.memory_space<hbm>>) target_semaphore(%arg16 : memref<!tpu.dma_semaphore, #tpu.memory_space<semaphore_mem>>)
      %ge3A_101 = arith.constant 1 : i32
      %ge3A_102 = arith.cmpi sge, %add3A_87, %ge3A_101 : i32
      %convert_element_type3A_103 = arith.extui %ge3A_102 : i1 to i32
      %cond3A_104 = arith.constant 0 : i32
      %cond3A_105 = arith.cmpi ne, %convert_element_type3A_103, %cond3A_104 : i32
      scf.if %cond3A_105 {
        %sub3A_146 = arith.constant 1 : i32
        %sub3A_147 = arith.subi %add3A_87, %sub3A_146 : i32
        %mul3A_148 = arith.constant 32 : i32
        %mul3A_149 = arith.muli %sub3A_147, %mul3A_148 : i32
        %add3A_150 = arith.addi %mul3A_2, %mul3A_149 : i32
        %dma_wait3A_151 = arith.constant 0 : i32
        %dma_wait3A_152 = tpu.memref_slice %arg4[%add3A_150, %dma_wait3A_151] : memref<819200x768xf32, #tpu.memory_space<hbm>> -> memref<32x768xf32, #tpu.memory_space<hbm>>
        %dma_wait3A_153 = arith.constant 0 : i32
        %dma_wait3A_154 = tpu.memref_slice %arg4[%add3A_150, %dma_wait3A_153] : memref<819200x768xf32, #tpu.memory_space<hbm>> -> memref<32x768xf32, #tpu.memory_space<hbm>>
        tpu.wait_dma2 semaphore(%arg15 : memref<!tpu.dma_semaphore, #tpu.memory_space<semaphore_mem>>) src(%arg7 : memref<32x768xf32, #tpu.memory_space<vmem>>) dst(%dma_wait3A_154 : memref<32x768xf32, #tpu.memory_space<hbm>>)
      } else {
      }
      %add3A_106 = arith.constant 4 : i32
      %add3A_107 = arith.addi %add3A_87, %add3A_106 : i32
      %sub3A_108 = arith.constant 1 : i32
      %sub3A_109 = arith.subi %add3A_107, %sub3A_108 : i32
      %lt3A_110 = arith.constant 800 : i32
      %lt3A_111 = arith.cmpi slt, %sub3A_109, %lt3A_110 : i32
      %convert_element_type3A_112 = arith.extui %lt3A_111 : i1 to i32
      %cond3A_113 = arith.constant 0 : i32
      %cond3A_114 = arith.cmpi ne, %convert_element_type3A_112, %cond3A_113 : i32
      scf.if %cond3A_114 {
        %mul3A_146 = arith.constant 32 : i32
        %mul3A_147 = arith.muli %sub3A_109, %mul3A_146 : i32
        %dma_start3A_148 = tpu.memref_slice %arg5[%mul3A_147] : memref<25600xi32, #tpu.memory_space<vmem>> -> memref<32xi32, #tpu.memory_space<vmem>>
        %dma_start3A_149 = arith.constant 0 : i32
        %dma_start3A_150 = arith.constant 0 : i32
        %dma_start3A_151 = tpu.memref_slice %arg3[%dma_start3A_149, %dma_start3A_150] : memref<50257x768xf32, #tpu.memory_space<hbm>> -> memref<50257x768xf32, #tpu.memory_space<hbm>>
        tpu.enqueue_indirect_dma source(%dma_start3A_151 : memref<50257x768xf32, #tpu.memory_space<hbm>>) target(%arg7 : memref<32x768xf32, #tpu.memory_space<vmem>>) offsets(%dma_start3A_148 : memref<32xi32, #tpu.memory_space<vmem>>) semaphore(%arg11 : memref<!tpu.dma_semaphore, #tpu.memory_space<semaphore_mem>>)
      } else {
      }
      %mul3A_115 = arith.constant 4 : i32
      %mul3A_116 = arith.muli %scan3A_26, %mul3A_115 : i32
      %add3A_117 = arith.constant 3 : i32
      %add3A_118 = arith.addi %mul3A_116, %add3A_117 : i32
      %mul3A_119 = arith.constant 32 : i32
      %mul3A_120 = arith.muli %add3A_118, %mul3A_119 : i32
      %dma_wait3A_121 = tpu.memref_slice %arg5[%mul3A_120] : memref<25600xi32, #tpu.memory_space<vmem>> -> memref<32xi32, #tpu.memory_space<vmem>>
      %dma_wait3A_122 = arith.constant 0 : i32
      %dma_wait3A_123 = arith.constant 0 : i32
      %dma_wait3A_124 = tpu.memref_slice %arg3[%dma_wait3A_122, %dma_wait3A_123] : memref<50257x768xf32, #tpu.memory_space<hbm>> -> memref<50257x768xf32, #tpu.memory_space<hbm>>
      tpu.wait_indirect_dma semaphore(%arg13 : memref<!tpu.dma_semaphore, #tpu.memory_space<semaphore_mem>>) src(%dma_wait3A_124 : memref<50257x768xf32, #tpu.memory_space<hbm>>) dst(%arg9 : memref<32x768xf32, #tpu.memory_space<vmem>>)
      %mul3A_125 = arith.constant 32 : i32
      %mul3A_126 = arith.muli %add3A_118, %mul3A_125 : i32
      %add3A_127 = arith.addi %mul3A_2, %mul3A_126 : i32
      %dma_start3A_128 = arith.constant 0 : i32
      %dma_start3A_129 = tpu.memref_slice %arg4[%add3A_127, %dma_start3A_128] : memref<819200x768xf32, #tpu.memory_space<hbm>> -> memref<32x768xf32, #tpu.memory_space<hbm>>
      %dma_start3A_130 = arith.constant 0 : i32
      %dma_start3A_131 = tpu.memref_slice %arg4[%add3A_127, %dma_start3A_130] : memref<819200x768xf32, #tpu.memory_space<hbm>> -> memref<32x768xf32, #tpu.memory_space<hbm>>
      tpu.enqueue_dma source(%arg9 : memref<32x768xf32, #tpu.memory_space<vmem>>) target(%dma_start3A_131 : memref<32x768xf32, #tpu.memory_space<hbm>>) target_semaphore(%arg17 : memref<!tpu.dma_semaphore, #tpu.memory_space<semaphore_mem>>)
      %ge3A_132 = arith.constant 1 : i32
      %ge3A_133 = arith.cmpi sge, %add3A_118, %ge3A_132 : i32
      %convert_element_type3A_134 = arith.extui %ge3A_133 : i1 to i32
      %cond3A_135 = arith.constant 0 : i32
      %cond3A_136 = arith.cmpi ne, %convert_element_type3A_134, %cond3A_135 : i32
      scf.if %cond3A_136 {
        %sub3A_146 = arith.constant 1 : i32
        %sub3A_147 = arith.subi %add3A_118, %sub3A_146 : i32
        %mul3A_148 = arith.constant 32 : i32
        %mul3A_149 = arith.muli %sub3A_147, %mul3A_148 : i32
        %add3A_150 = arith.addi %mul3A_2, %mul3A_149 : i32
        %dma_wait3A_151 = arith.constant 0 : i32
        %dma_wait3A_152 = tpu.memref_slice %arg4[%add3A_150, %dma_wait3A_151] : memref<819200x768xf32, #tpu.memory_space<hbm>> -> memref<32x768xf32, #tpu.memory_space<hbm>>
        %dma_wait3A_153 = arith.constant 0 : i32
        %dma_wait3A_154 = tpu.memref_slice %arg4[%add3A_150, %dma_wait3A_153] : memref<819200x768xf32, #tpu.memory_space<hbm>> -> memref<32x768xf32, #tpu.memory_space<hbm>>
        tpu.wait_dma2 semaphore(%arg16 : memref<!tpu.dma_semaphore, #tpu.memory_space<semaphore_mem>>) src(%arg8 : memref<32x768xf32, #tpu.memory_space<vmem>>) dst(%dma_wait3A_154 : memref<32x768xf32, #tpu.memory_space<hbm>>)
      } else {
      }
      %add3A_137 = arith.constant 4 : i32
      %add3A_138 = arith.addi %add3A_118, %add3A_137 : i32
      %sub3A_139 = arith.constant 1 : i32
      %sub3A_140 = arith.subi %add3A_138, %sub3A_139 : i32
      %lt3A_141 = arith.constant 800 : i32
      %lt3A_142 = arith.cmpi slt, %sub3A_140, %lt3A_141 : i32
      %convert_element_type3A_143 = arith.extui %lt3A_142 : i1 to i32
      %cond3A_144 = arith.constant 0 : i32
      %cond3A_145 = arith.cmpi ne, %convert_element_type3A_143, %cond3A_144 : i32
      scf.if %cond3A_145 {
        %mul3A_146 = arith.constant 32 : i32
        %mul3A_147 = arith.muli %sub3A_140, %mul3A_146 : i32
        %dma_start3A_148 = tpu.memref_slice %arg5[%mul3A_147] : memref<25600xi32, #tpu.memory_space<vmem>> -> memref<32xi32, #tpu.memory_space<vmem>>
        %dma_start3A_149 = arith.constant 0 : i32
        %dma_start3A_150 = arith.constant 0 : i32
        %dma_start3A_151 = tpu.memref_slice %arg3[%dma_start3A_149, %dma_start3A_150] : memref<50257x768xf32, #tpu.memory_space<hbm>> -> memref<50257x768xf32, #tpu.memory_space<hbm>>
        tpu.enqueue_indirect_dma source(%dma_start3A_151 : memref<50257x768xf32, #tpu.memory_space<hbm>>) target(%arg8 : memref<32x768xf32, #tpu.memory_space<vmem>>) offsets(%dma_start3A_148 : memref<32xi32, #tpu.memory_space<vmem>>) semaphore(%arg12 : memref<!tpu.dma_semaphore, #tpu.memory_space<semaphore_mem>>)
      } else {
      }
    }
    %scan3A_20 = arith.constant 200 : i32
    %add3A_21 = arith.constant 25568 : i32
    %add3A_22 = arith.addi %mul3A_2, %add3A_21 : i32
    %dma_wait3A = arith.constant 0 : i32
    %dma_wait3A_23 = tpu.memref_slice %arg4[%add3A_22, %dma_wait3A] : memref<819200x768xf32, #tpu.memory_space<hbm>> -> memref<32x768xf32, #tpu.memory_space<hbm>>
    %dma_wait3A_24 = arith.constant 0 : i32
    %dma_wait3A_25 = tpu.memref_slice %arg4[%add3A_22, %dma_wait3A_24] : memref<819200x768xf32, #tpu.memory_space<hbm>> -> memref<32x768xf32, #tpu.memory_space<hbm>>
    tpu.wait_dma2 semaphore(%arg17 : memref<!tpu.dma_semaphore, #tpu.memory_space<semaphore_mem>>) src(%arg9 : memref<32x768xf32, #tpu.memory_space<vmem>>) dst(%dma_wait3A_25 : memref<32x768xf32, #tpu.memory_space<hbm>>)
    return
  }
}

module attributes {stable_mosaic.version = 14 : i64} {
  func.func @_normalize_body(%arg0: i32, %arg1: memref<1024x768xf32, #tpu.memory_space<vmem>>, %arg2: memref<1024x768xf32, #tpu.memory_space<vmem>>) attributes {dimension_semantics = [#tpu.dimension_semantics<arbitrary>], iteration_bounds = array<i64: 50>, scalar_prefetch = 0 : i64, scratch_operands = 0 : i64, tpu.core_type = #tpu.core_type<tc>, window_params = [{transform_indices = @transform_0, window_bounds = array<i64: 1024, 768>}, {transform_indices = @transform_1, window_bounds = array<i64: 1024, 768>}]} {
    %get3A = arith.constant 0 : index
    %get3A_0 = arith.constant 0 : index
    %get3A_1 = vector.load %arg1[%get3A, %get3A_0] : memref<1024x768xf32, #tpu.memory_space<vmem>>, vector<1024x768xf32>
    %mul3A = arith.mulf %get3A_1, %get3A_1 : vector<1024x768xf32>
    %reduce_sum3A = arith.constant dense<0.000000e+00> : vector<1024xf32>
    %reduce_sum3A_2 = vector.multi_reduction <add>, %mul3A, %reduce_sum3A [1] : vector<1024x768xf32> to vector<1024xf32>
    %broadcast_in_dim3A = vector.shape_cast %reduce_sum3A_2 : vector<1024xf32> to vector<1024x1xf32>
    %sqrt3A = math.sqrt %broadcast_in_dim3A : vector<1024x1xf32>
    %max3A = arith.constant 9.99999996E-13 : f32
    %max3A_3 = vector.broadcast %max3A : f32 to vector<1024x1xf32>
    %max3A_4 = arith.maximumf %sqrt3A, %max3A_3 : vector<1024x1xf32>
    %div3A = vector.broadcast %max3A_4 : vector<1024x1xf32> to vector<1024x768xf32>
    %div3A_5 = arith.divf %get3A_1, %div3A : vector<1024x768xf32>
    %swap3A = arith.constant 0 : index
    %swap3A_6 = arith.constant 0 : index
    %swap3A_7 = vector.load %arg2[%swap3A, %swap3A_6] : memref<1024x768xf32, #tpu.memory_space<vmem>>, vector<1024x768xf32>
    tpu.vector_store %arg2[%swap3A, %swap3A_6], %div3A_5 {strides = array<i32>} : memref<1024x768xf32, #tpu.memory_space<vmem>>, vector<1024x768xf32>,
    return
  }
  func.func @transform_0(%arg0: i32) -> (i32, i32) {
    %c0_i32 = arith.constant 0 : i32
    %c0_i32_0 = arith.constant 0 : i32
    return %arg0, %c0_i32 : i32, i32
  }
  func.func @transform_1(%arg0: i32) -> (i32, i32) {
    %c0_i32 = arith.constant 0 : i32
    %c0_i32_0 = arith.constant 0 : i32
    return %arg0, %c0_i32 : i32, i32
  }
}

</mosaic_0001>

<sc_bundles>
// kernel: kernel.4.cloned.1.call-start
scs
__scs_entry_jumppad:
0x0: {  	(pc) =	sbr.rel $0x88, $3  }
0x1: {  	(tag) =	ssettag $0x0;
	lr =	simm.s32 $0x1  }
0x2: {  	[smem:$0x3F9F] =	sst lr;
	_ =	strace $0xD0000000  }
0x3: {  	_ = 	snop  }
0x4: {  	_ = 	snop  }
0x5: {  	_ = 	snop  }
0x6: {  	_ = 	snop  }
0x7: {  	_ = 	snop  }
__scs_overlays_trampoline_lowered:
0x8: {  	[smem:$0x3FAE] =	sst s0  }
0x9: {  	[smem:$0x3FAF] =	sst s1  }
0xa: {  	[smem:$0x3FB0] =	sst s2  }
0xb: {  	[smem:$0x3FB1] =	sst s3  }
0xc: {  	[smem:$0x3FB2] =	sst s4  }
0xd: {  	[smem:$0x3FB3] =	sst s5  }
0xe: {  	[smem:$0x3FB4] =	sst s6  }
0xf: {  	[smem:$0x3FB5] =	sst s7  }
0x10: {  	[smem:$0x3FB6] =	sst s8  }
0x11: {  	[smem:$0x3FB7] =	sst s9;
	s0 =	simm.s32 @!p0 $0x0  }
0x12: {  	s1 =	sld [smem:$0x3F9D];
	s0 =	simm.s32 @p0 $0x1  }
0x13: {  	[smem:$0x3FB8] =	sst s0;
	s0 =	simm.s32 @!p1 $0x0  }
0x14: {  	s2 =	sld [smem:$0x3F9C];
	s0 =	simm.s32 @p1 $0x1  }
0x15: {  	[smem:$0x3FB9] =	sst s0;
	s0 =	simm.s32 @!p2 $0x0  }
0x16: {  	s3 =	sld [smem:$0x3FDB];
	s0 =	simm.s32 @p2 $0x1  }
0x17: {  	s4 =	simm.s32 $0x1BF5;
	[smem:$0x3FBB] =	sst s0  }
0x18: {  	s0 =	sld [smem:$0x3F9E];
	_ =	swait.ge [sflag:s4], $0x0  }
0x19: {  	s7 =	sld [smem:$0x3F9F]  }
0x1a: {  	s8 =	sadd.s32 $0xFFFFE003, lr  }
0x1b: {  	s9 =	sadd.s32 $0xFFFFFEF7, lr;
	s5 =	simm.s32 $0xFFFFFFFF;
	p2 =	slt.u32 s8, $0xFFFFF086  }
0x1c: {  	p1 =	slt.u32 s9, $0xF7A;
	s5 =	simm.s32 @!p2 $0x0  }
0x1d: {  	s5 =	simm.s32 @p1 $0x1;
	p0 =	seq.s32 s7, s2  }
0x1e: {  	s7 =	smul.u32 @!p0 $0xF7A, s2;
	p2 =	seq.s32 @!p0 s5, $0x0  }
0x1f: {  	s9 =	smul.u32 $0xF7A, s1;
	s8 =	simm.s32 @!p0 $0x1BF5;
	p2 =	por !p2, p0  }
0x20: {  	[sflag:s8] =	ssyncset.s32 @!p0 $0xFFFFF086;
	s6 =	sadd.s32 @!p0 s3, s7;
	s7 =	simm.s32 @!p0 $0x108  }
0x21: {  	s3 =	sadd.s32 s3, s9;
	s6 =	sadd.s32 @!p0 $0x88, s6;
	s7 =	simm.s32 @p2 $0x1082  }
0x22: {  	[simem:s7], [sflag:s8] =	dma.local @!p0 [hbm:s6], $0xF7A  }
0x23: {  	s9 =	sor.u32 $0xD0000000, s2;
	s6 =	simm.s32 $0x108;
	_ =	swait.ge @!p0 [sflag:s8], $0x0  }
0x24: {  	s3 =	sadd.s32 $0x88, s3;
	s6 =	simm.s32 @!p1 $0x1082;
	[sflag:s4] =	ssyncset.s32 $0xFFFFF086  }
0x25: {  	[simem:s6], [sflag:s4] =	dma.local [hbm:s3], $0xF7A  }
0x26: {  	[smem:$0x3F9F] =	sst s1;
	(tag) =	ssettag s2;
	_ =	strace s9  }
0x27: {  	s1 =	sld [smem:$0x3FAF]  }
0x28: {  	s2 =	sld [smem:$0x3FB0]  }
0x29: {  	s4 =	sld [smem:$0x3FB2]  }
0x2a: {  	p0 =	seq.s32 s5, $0x0;
	s5 =	sld [smem:$0x3FB3]  }
0x2b: {  	s6 =	sld [smem:$0x3FB4]  }
0x2c: {  	s7 =	sld [smem:$0x3FB5]  }
0x2d: {  	s3 =	simm.s32 $0x108;
	s8 =	sld [smem:$0x3FB6]  }
0x2e: {  	s3 =	simm.s32 @!p0 $0x1082;
	s9 =	sld [smem:$0x3FB7]  }
0x2f: {  	lr =	sadd.s32 s0, s3;
	s0 =	sld [smem:$0x3FAE]  }
0x30: {  	s3 =	sld [smem:$0x3FB1]  }
0x31: {  	[smem:$0x3FBA] =	sst s10  }
0x32: {  	s10 =	sld [smem:$0x3FB8];
	_ =	sdelay $0x3  }
0x33: {  	p0 =	seq.s32 s10, $0x1;
	s10 =	sld [smem:$0x3FBA];
	_ =	sdelay $0x3  }
0x34: {  	[smem:$0x3FBA] =	sst s10  }
0x35: {  	s10 =	sld [smem:$0x3FB9];
	_ =	sdelay $0x3  }
0x36: {  	p1 =	seq.s32 s10, $0x1;
	s10 =	sld [smem:$0x3FBA];
	_ =	sdelay $0x3  }
0x37: {  	[smem:$0x3FBA] =	sst s10  }
0x38: {  	s10 =	sld [smem:$0x3FBB]  }
0x39: {  	_ = 	snop;
	(pc) =	sbr.ind lr, $3  }
0x3a: {  	_ = 	snop  }
0x3b: {  	_ = 	snop  }
0x3c: {  	p2 =	seq.s32 s10, $0x1;
	s10 =	sld [smem:$0x3FBA]  }
0x3d: {  	_ =	shalt  }
0x3e: {  	_ =	shalt  }
0x3f: {  	_ =	shalt  }
0x40: {  	_ =	shalt  }
0x41: {  	_ =	shalt  }
0x42: {  	_ =	shalt  }
0x43: {  	_ =	shalt  }
0x44: {  	_ =	shalt  }
0x45: {  	_ =	shalt  }
0x46: {  	_ =	shalt  }
0x47: {  	_ =	shalt  }
0x48: {  	_ =	shalt  }
0x49: {  	_ =	shalt  }
0x4a: {  	_ =	shalt  }
0x4b: {  	_ =	shalt  }
0x4c: {  	_ =	shalt  }
0x4d: {  	_ =	shalt  }
0x4e: {  	_ =	shalt  }
0x4f: {  	_ =	shalt  }
0x50: {  	_ =	shalt  }
0x51: {  	_ =	shalt  }
0x52: {  	_ =	shalt  }
0x53: {  	_ =	shalt  }
0x54: {  	_ =	shalt  }
0x55: {  	_ =	shalt  }
0x56: {  	_ =	shalt  }
0x57: {  	_ =	shalt  }
0x58: {  	_ =	shalt  }
0x59: {  	_ =	shalt  }
0x5a: {  	_ =	shalt  }
0x5b: {  	_ =	shalt  }
0x5c: {  	_ =	shalt  }
0x5d: {  	_ =	shalt  }
0x5e: {  	_ =	shalt  }
0x5f: {  	_ =	shalt  }
0x60: {  	_ =	shalt  }
0x61: {  	_ =	shalt  }
0x62: {  	_ =	shalt  }
0x63: {  	_ =	shalt  }
0x64: {  	_ =	shalt  }
0x65: {  	_ =	shalt  }
0x66: {  	_ =	shalt  }
0x67: {  	_ =	shalt  }
0x68: {  	_ =	shalt  }
0x69: {  	_ =	shalt  }
0x6a: {  	_ =	shalt  }
0x6b: {  	_ =	shalt  }
0x6c: {  	_ =	shalt  }
0x6d: {  	_ =	shalt  }
0x6e: {  	_ =	shalt  }
0x6f: {  	_ =	shalt  }
0x70: {  	_ =	shalt  }
0x71: {  	_ =	shalt  }
0x72: {  	_ =	shalt  }
0x73: {  	_ =	shalt  }
0x74: {  	_ =	shalt  }
0x75: {  	_ =	shalt  }
0x76: {  	_ =	shalt  }
0x77: {  	_ =	shalt  }
0x78: {  	_ =	shalt  }
0x79: {  	_ =	shalt  }
0x7a: {  	_ =	shalt  }
0x7b: {  	_ =	shalt  }
0x7c: {  	_ =	shalt  }
0x7d: {  	_ =	shalt  }
0x7e: {  	_ =	shalt  }
0x7f: {  	_ =	shalt  }
0x80: {  	_ =	shalt  }
0x81: {  	_ =	shalt  }
0x82: {  	_ =	shalt  }
0x83: {  	_ =	shalt  }
0x84: {  	_ =	shalt  }
0x85: {  	_ =	shalt  }
0x86: {  	_ =	shalt  }
0x87: {  	_ =	shalt  }
.Lfunc_end0:
.L_simem_size_0:
called_computation_lowered:
.L_overlay_start_0:
0x88: {  	s2 =	sld [smem:$0x3FD9]  }
0x89: {  	s3 =	sld [smem:$0x3FFE];
	_ =	sdelay $0x1  }
0x8a: {  	s1 =	srdreg.scid  }
0x8b: {  	s0 =	sand.u32 $0x1, s1  }
0x8c: {  	s17 =	sshll.u32 s0, $0xA;
	s2 =	sadd.s32 s3, s2  }
0x8d: {  	s2 =	sadd.s32 s2, s17  }
0x8e: {  	[smem:$0x3FC6] =	sst s2  }
0x8f: {  	_ = 	snop  }
0x90: {  	s2 =	sld [smem:$0x3FD0];
	(tm) =	ssettm $0x1  }
0x91: {  	s18 =	sld [smem:$0x3FFB];
	_ =	sdelay $0x3  }
0x92: {  	_ =	strace s18  }
0x93: {  	s3 =	sld [smem:$0x3FFC];
	_ =	sdelay $0x3  }
0x94: {  	_ =	strace s3  }
0x95: {  	s3 =	sld [smem:$0x3FFD];
	_ =	sdelay $0x3  }
0x96: {  	_ =	strace s3  }
0x97: {  	_ =	strace $0x8FFFFFFF  }
0x98: {  	s19 =	sld [smem:$0x3FDB];
	_ =	sdelay $0x1  }
0x99: {  	s4 =	simm.s32 $_scs_section_size  }
0x9a: {  	s5 =	simm.s32 $_size__tile_overlayer_lowered;
	s6 =	simm.s32 $_tile_overlayer_lowered  }
0x9b: {  	s22 =	simm.s32 $0x1BFF;
	s21 =	sshll.u32 s6, $0x1;
	s3 =	sadd.s32 s4, s19  }
0x9c: {  	s7 =	simm.s32 $0x0;
	s20 =	sshll.u32 s5, $0x1;
	s5 =	sadd.s32 s21, s3  }
0x9d: {  	[timem:s7], [sflag:s22] =	dma.local [hbm:s5], s20  }
0x9e: {  	_ =	swait.ge [sflag:s22], s20  }
0x9f: {  	s4 =	ssub.s32 $0x0, s20;
	[sflag:s22] =	ssyncset.done $0x0  }
0xa0: {  	[sflag:s22] =	ssyncadd.s32 s4;
	_ =	sdelay $0x1  }
0xa1: {  	s23 =	simm.s32 $0x1B8B  }
0xa2: {  	_ =	swait.ge [sflag:s23], $0x1  }
0xa3: {  	[sflag:s23] =	ssyncset.done $0x0  }
0xa4: {  	s25 =	simm.s32 $0x1B8E;
	s24 =	sld [smem:$0x3FFE];
	[sflag:s23] =	ssyncadd.s32 $0xFFFFFFFF  }
0xa5: {  	s26 =	simm.s32 $execute0_lowered;
	[smem:$0x3FD2] =	sst s25  }
0xa6: {  	s5 =	sshll.u32 s26, $0x1;
	_ =	strace $0x80000046;
	[dreg:$0x1] =	wrdreg $0xFFFFFFFF  }
0xa7: {  	s28 =	simm.s32 $_size_execute0_lowered;
	s3 =	sadd.s32 s3, s5;
	[dreg:$0x0] =	wrdreg $0x0  }
0xa8: {  	s5 =	sshll.u32 s28, $0x1;
	[dreg:$0x2] =	wrdreg s3  }
0xa9: {  	[dreg:$0x3] =	wrdreg s5  }
0xaa: {  	[dreg:$0x4] =	wrdreg $0xC0  }
0xab: {  	_ =	task [dreg:s7], $0x5FFFF  }
0xac: {  	[dreg:$0x1] =	wrdreg $0xFFFFFFFF  }
0xad: {  	[dreg:$0x0] =	wrdreg $0x60  }
0xae: {  	[dreg:$0x2] =	wrdreg s24  }
0xaf: {  	[dreg:$0x3] =	wrdreg s2  }
0xb0: {  	[dreg:$0x4] =	wrdreg $0x9  }
0xb1: {  	_ =	task.clear_ibuf [dreg:s7], $0x5FFFF;
	_ =	strace $0x90000046  }
0xb2: {  	s29 =	simm.s32 $0x9;
	_ =	strace $0x80000048  }
0xb3: {  	_ =	swait.ge [sflag:s29], $0x1  }
0xb4: {  	[sflag:s29] =	ssyncadd.s32 $0xFFFFFFFF  }
0xb5: {  	_ =	strace $0x90000048  }
0xb6: {  	_ =	sfence  }
0xb7: {  	s30 =	sld [smem:$0x0];
	_ =	sdelay $0x2  }
0xb8: {  	s31 =	sshll.u32 s1, $0xD;
	s1 =	sshrl.u32 s1, $0x2  }
0xb9: {  	s3 =	sand.u32 $0x4000, s31;
	s1 =	sadd.s32 s1, s30  }
0xba: {  	s0 =	sor.u32 s3, s0;
	s1 =	sshll.u32 s1, $0x11  }
0xbb: {  	s0 =	sor.u32 s1, s0  }
0xbc: {  	s0 =	sadd.s32 $0x8F2B, s0  }
0xbd: {  	[sflag:s0] =	ssyncadd.remote.s32 $0x1  }
0xbe: {  	_ =	sfence.sel $0xFFFF  }
0xbf: {  	[dreg:$0x0] =	wrdreg $0xFFFFFFFF;
	(pc) =	sbr.abs _section_cstart, $3  }
0xc0: {  	[dreg:$0x1] =	wrdreg $0xFFFFFFFF  }
0xc1: {  	_ =	task.clear_ibuf [dreg:s7], $0x2FFFF;
	_ =	strace $0x9FFFFFFF  }
0xc2: {  	(tm) =	ssettm $0x7FFFFFFF  }
0xc3: {  	_ =	shalt  }
tec
execute0_lowered:
.L_overlay_start_1:
0x0: {  	(tag) =	ssettag $0x1  }
0x1: {  	s0 =	srdreg.scid;
	s4 =	rddreg [dreg:$0x0]  }
0x2: {  	s3 =	stileid.u32;
	s7 =	rddreg [dreg:$0x1];
	s2 =	simm.s32 $0x0  }
0x3: {  	s18 =	simm.s32 $0x12400;
	s15 =	simm.s32 $0x19400;
	s16 =	simm.s32 $0x19C00  }
0x4: {  	s17 =	simm.s32 $0x1A400;
	s12 =	simm.s32 $0x1BC00;
	s13 =	simm.s32 $0x1C400  }
0x5: {  	s19 =	simm.s32 $0x1D400;
	s20 =	simm.s32 $0x1DC00;
	s21 =	simm.s32 $0x2  }
0x6: {  	s22 =	simm.s32 $0x5;
	s28 =	simm.s32 $0x7;
	s30 =	simm.s32 $0x0  }
0x7: {  	s0 =	sand.u32 $0x1, s0;
	s1 =	sshll.u32 s3, $0x1;
	s3 =	smul.u32 $0xC800, s3  }
0x8: {  	[smem:$0x7FF] =	sst s2;
	s1 =	sor.u32 s0, s1;
	s5 =	smul.u32 $0x6400, s0  }
0x9: {  	_ =	strace $0x80000047;
	s0 =	ssub.s32 $0x2, s0;
	s1 =	smul.u32 $0x6400, s1  }
0xa: {  	s6 =	sshrl.u32 s0, $0x1;
	s5 =	sadd.s32 s5, s3;
	s3 =	sadd.s32 $0x19400, s4  }
0xb: {  	s0 =	ssub.s32 s0, s6;
	s6 =	sadd.s32 $0x19600, s4;
	s1 =	sshrl.u32 s1, $0x3  }
0xc: {  	s8 =	sor.u32 $0x60, s5;
	s24 =	sshrl.u32 s5, $0x3;
	s9 =	sor.u32 $0x20, s5  }
0xd: {  	s5 =	sor.u32 $0x40, s5;
	s0 =	smax.u32 s0, $0x1;
	s1 =	sadd.s32 s1, s4  }
0xe: {  	s23 =	sshrl.u32 s8, $0x3;
	s10 =	smul.u32 $0x300, s24;
	s25 =	sshrl.u32 s9, $0x3  }
0xf: {  	s29 =	sshrl.u32 s5, $0x3;
	s5 =	sadd.s32 $0x19500, s4;
	s8 =	smul.u32 $0x300, s23  }
0x10: {  	[dreg:$0x4] =	wrdreg s0;
	s0 =	simm.s32 $0x18400;
	s26 =	smul.u32 $0x300, s25  }
.Ltmp0:
0x11: {  	s4 =	simm.s32 $0x1AC00;
	s24 =	simm.s32 $0x6;
	(pc) =	sbr.rel .LBB2_1-.Ltmp0, $4  }
0x12: {  	s1 =	sadd.s32 $0x400, s1;
	s31 =	smul.u32 $0x300, s29;
	s25 =	simm.s32 $0x1CC00  }
0x13: {  	v2 =	vlaneseq.u32;
	s23 =	simm.s32 $0x3;
	[dreg:$0x3] =	wrdreg s1;
	s9 =	sadd.s32 s10, s7  }
0x14: {  	vm0 =	vmmov $0xffff;
	v1 =	vshrl.u32 v2, $0x3;
	s1 =	simm.s32 $0x1;
	s8 =	sadd.s32 s8, s7;
	s10 =	sadd.s32 s26, s7  }
0x15: {  	v0 =	vand.u32 $0x7, v2;
	v2 =	vor.u32 $0x8, v2;
	v1 =	vmul.u32 $0x8, v1;
	s11 =	sadd.s32 s31, s7;
	s7 =	simm.s32 $0x1B400;
	s26 =	simm.s32 $0x4  }
.LBB2_4:
0x16: {  	s29 =	simm.s32 $0x8  }
0x17: {  	_ =	swait.ge [sflag:s29], $0x6000  }
0x18: {  	s30 =	rddreg [dreg:$0x5]  }
0x19: {  	s14 =	rddreg [dreg:$0x4];
	s30 =	sadd.s32 $0x1, s30  }
0x1a: {  	p0 =	sne.s32 s30, s14  }
.Ltmp1:
0x1b: {  	_ = 	snop;
	(pc) =	sbr.rel @!p0 .LBB2_5-.Ltmp1, $3  }
0x1c: {  	_ =	sdelay $0x1  }
0x1d: {  	[sflag:s29] =	ssyncset.done $0x0  }
0x1e: {  	[sflag:s29] =	ssyncadd.s32 $0xFFFFA000  }
.LBB2_1:
0x1f: {  	[dreg:$0x5] =	wrdreg s30  }
0x20: {  	s14 =	rddreg [dreg:$0x3];
	s31 =	simm.s32 $0x9  }
0x21: {  	[tilespmem:s2], [sflag:$0x9] =	stream.linear.gather [hbm4b:s14+s2], $0x6400, $0x38;
	[tilespmem:$0x1E400] =	vst v63  }
0x22: {  	_ =	swait.ge [sflag:s31], $0x6400  }
0x23: {  	[sflag:s31] =	ssyncset.done $0x0  }
0x24: {  	[sflag:s31] =	ssyncadd.s32 $0xFFFF9C00  }
0x25: {  	v3 =	vld [tilespmem:$0x0];
	_ =	sdelay $0x4  }
0x26: {  	v4 =	vshrl.u32 v3, $0x3  }
0x27: {  	v4 =	vmul.u32 $0x30, v4  }
0x28: {  	v3 =	vand.u32 $0x7, v3  }
0x29: {  	v3 =	vor.u32 v3, v4  }
0x2a: {  	v4 =	vperm.xlane v3, v0;
	_ =	sdelay $0x1  }
0x2b: {  	v4 =	vadd.s32 v1, v4;
	_ =	sdelay $0x3  }
0x2c: {  	s31 =	simm.s32 $0x6400;
	v3 =	vperm.xlane v3, v2  }
0x2d: {  	[tilespmem:s31], [sflag:$0x1] =	stream.indirect_vreg.gather [hbm4b:s3+s2], $0x80, v4, vm0, $0xb8;
	[tilespmem:$0x1E400] =	vst v63  }
0x2e: {  	v3 =	vadd.s32 v1, v3;
	s31 =	simm.s32 $0x6C00  }
0x2f: {  	[tilespmem:s31], [sflag:$0x1] =	stream.indirect_vreg.gather [hbm4b:s5+s2], $0x80, v4, vm0, $0xb8;
	[tilespmem:$0x1E400] =	vst v63  }
0x30: {  	s31 =	simm.s32 $0x7400  }
0x31: {  	[tilespmem:s31], [sflag:$0x1] =	stream.indirect_vreg.gather [hbm4b:s6+s2], $0x80, v4, vm0, $0xb8;
	[tilespmem:$0x1E400] =	vst v63  }
0x32: {  	s31 =	simm.s32 $0x7C00  }
0x33: {  	[tilespmem:s31], [sflag:$0x1] =	stream.indirect_vreg.gather [hbm4b:s3+s2], $0x80, v3, vm0, $0xb8;
	[tilespmem:$0x1E400] =	vst v63  }
0x34: {  	s31 =	simm.s32 $0x8400  }
0x35: {  	[tilespmem:s31], [sflag:$0x1] =	stream.indirect_vreg.gather [hbm4b:s5+s2], $0x80, v3, vm0, $0xb8;
	[tilespmem:$0x1E400] =	vst v63  }
0x36: {  	s31 =	simm.s32 $0x8C00  }
0x37: {  	[tilespmem:s31], [sflag:$0x1] =	stream.indirect_vreg.gather [hbm4b:s6+s2], $0x80, v3, vm0, $0xb8;
	[tilespmem:$0x1E400] =	vst v63  }
0x38: {  	v3 =	vld [tilespmem:$0x10];
	_ =	sdelay $0x4  }
0x39: {  	v59 =	vshrl.u32 v3, $0x3  }
0x3a: {  	v4 =	vmul.u32 $0x30, v59  }
0x3b: {  	v3 =	vand.u32 $0x7, v3  }
0x3c: {  	v3 =	vor.u32 v3, v4  }
0x3d: {  	v4 =	vperm.xlane v3, v0;
	_ =	sdelay $0x1  }
0x3e: {  	v4 =	vadd.s32 v1, v4;
	_ =	sdelay $0x3  }
0x3f: {  	s31 =	simm.s32 $0x9400;
	v3 =	vperm.xlane v3, v2  }
0x40: {  	[tilespmem:s31], [sflag:$0x1] =	stream.indirect_vreg.gather [hbm4b:s3+s2], $0x80, v4, vm0, $0xb8;
	[tilespmem:$0x1E400] =	vst v63  }
0x41: {  	v3 =	vadd.s32 v1, v3;
	s31 =	simm.s32 $0x9C00  }
0x42: {  	[tilespmem:s31], [sflag:$0x1] =	stream.indirect_vreg.gather [hbm4b:s5+s2], $0x80, v4, vm0, $0xb8;
	[tilespmem:$0x1E400] =	vst v63  }
0x43: {  	s31 =	simm.s32 $0xA400  }
0x44: {  	[tilespmem:s31], [sflag:$0x1] =	stream.indirect_vreg.gather [hbm4b:s6+s2], $0x80, v4, vm0, $0xb8;
	[tilespmem:$0x1E400] =	vst v63  }
0x45: {  	s31 =	simm.s32 $0xAC00  }
0x46: {  	[tilespmem:s31], [sflag:$0x1] =	stream.indirect_vreg.gather [hbm4b:s3+s2], $0x80, v3, vm0, $0xb8;
	[tilespmem:$0x1E400] =	vst v63  }
0x47: {  	s31 =	simm.s32 $0xB400  }
0x48: {  	[tilespmem:s31], [sflag:$0x1] =	stream.indirect_vreg.gather [hbm4b:s5+s2], $0x80, v3, vm0, $0xb8;
	[tilespmem:$0x1E400] =	vst v63  }
0x49: {  	s31 =	simm.s32 $0xBC00  }
0x4a: {  	[tilespmem:s31], [sflag:$0x1] =	stream.indirect_vreg.gather [hbm4b:s6+s2], $0x80, v3, vm0, $0xb8;
	[tilespmem:$0x1E400] =	vst v63  }
0x4b: {  	v3 =	vld [tilespmem:$0x20];
	_ =	sdelay $0x4  }
0x4c: {  	v60 =	vshrl.u32 v3, $0x3  }
0x4d: {  	v4 =	vmul.u32 $0x30, v60  }
0x4e: {  	v3 =	vand.u32 $0x7, v3  }
0x4f: {  	v3 =	vor.u32 v3, v4  }
0x50: {  	v4 =	vperm.xlane v3, v0;
	_ =	sdelay $0x1  }
0x51: {  	v4 =	vadd.s32 v1, v4;
	_ =	sdelay $0x3  }
0x52: {  	s31 =	simm.s32 $0xC400;
	v3 =	vperm.xlane v3, v2  }
0x53: {  	[tilespmem:s31], [sflag:$0x2] =	stream.indirect_vreg.gather [hbm4b:s3+s2], $0x80, v4, vm0, $0xb8;
	[tilespmem:$0x1E400] =	vst v63  }
0x54: {  	v3 =	vadd.s32 v1, v3;
	s31 =	simm.s32 $0xCC00  }
0x55: {  	[tilespmem:s31], [sflag:$0x2] =	stream.indirect_vreg.gather [hbm4b:s5+s2], $0x80, v4, vm0, $0xb8;
	[tilespmem:$0x1E400] =	vst v63  }
0x56: {  	s31 =	simm.s32 $0xD400  }
0x57: {  	[tilespmem:s31], [sflag:$0x2] =	stream.indirect_vreg.gather [hbm4b:s6+s2], $0x80, v4, vm0, $0xb8;
	[tilespmem:$0x1E400] =	vst v63  }
0x58: {  	s31 =	simm.s32 $0xDC00  }
0x59: {  	[tilespmem:s31], [sflag:$0x2] =	stream.indirect_vreg.gather [hbm4b:s3+s2], $0x80, v3, vm0, $0xb8;
	[tilespmem:$0x1E400] =	vst v63  }
0x5a: {  	s31 =	simm.s32 $0xE400  }
0x5b: {  	[tilespmem:s31], [sflag:$0x2] =	stream.indirect_vreg.gather [hbm4b:s5+s2], $0x80, v3, vm0, $0xb8;
	[tilespmem:$0x1E400] =	vst v63  }
0x5c: {  	s31 =	simm.s32 $0xEC00  }
0x5d: {  	[tilespmem:s31], [sflag:$0x2] =	stream.indirect_vreg.gather [hbm4b:s6+s2], $0x80, v3, vm0, $0xb8;
	[tilespmem:$0x1E400] =	vst v63  }
0x5e: {  	v3 =	vld [tilespmem:$0x30];
	_ =	sdelay $0x4  }
0x5f: {  	v61 =	vshrl.u32 v3, $0x3  }
0x60: {  	v4 =	vmul.u32 $0x30, v61  }
0x61: {  	v3 =	vand.u32 $0x7, v3  }
0x62: {  	v3 =	vor.u32 v3, v4  }
0x63: {  	v4 =	vperm.xlane v3, v0;
	_ =	sdelay $0x1  }
0x64: {  	v4 =	vadd.s32 v1, v4;
	_ =	sdelay $0x3  }
0x65: {  	s31 =	simm.s32 $0xF400;
	v3 =	vperm.xlane v3, v2  }
0x66: {  	[tilespmem:s31], [sflag:$0x2] =	stream.indirect_vreg.gather [hbm4b:s3+s2], $0x80, v4, vm0, $0xb8;
	[tilespmem:$0x1E400] =	vst v63  }
0x67: {  	v3 =	vadd.s32 v1, v3;
	s31 =	simm.s32 $0xFC00  }
0x68: {  	[tilespmem:s31], [sflag:$0x2] =	stream.indirect_vreg.gather [hbm4b:s5+s2], $0x80, v4, vm0, $0xb8;
	[tilespmem:$0x1E400] =	vst v63  }
0x69: {  	s31 =	simm.s32 $0x10400  }
0x6a: {  	[tilespmem:s31], [sflag:$0x2] =	stream.indirect_vreg.gather [hbm4b:s6+s2], $0x80, v4, vm0, $0xb8;
	[tilespmem:$0x1E400] =	vst v63  }
0x6b: {  	s31 =	simm.s32 $0x10C00  }
0x6c: {  	[tilespmem:s31], [sflag:$0x2] =	stream.indirect_vreg.gather [hbm4b:s3+s2], $0x80, v3, vm0, $0xb8;
	[tilespmem:$0x1E400] =	vst v63  }
0x6d: {  	s31 =	simm.s32 $0x11400  }
0x6e: {  	[tilespmem:s31], [sflag:$0x2] =	stream.indirect_vreg.gather [hbm4b:s5+s2], $0x80, v3, vm0, $0xb8;
	[tilespmem:$0x1E400] =	vst v63  }
0x6f: {  	s31 =	simm.s32 $0x11C00  }
0x70: {  	[tilespmem:s31], [sflag:$0x2] =	stream.indirect_vreg.gather [hbm4b:s6+s2], $0x80, v3, vm0, $0xb8;
	[tilespmem:$0x1E400] =	vst v63  }
0x71: {  	v3 =	vld [tilespmem:$0x40];
	_ =	sdelay $0x4  }
0x72: {  	v62 =	vshrl.u32 v3, $0x3  }
0x73: {  	v4 =	vmul.u32 $0x30, v62  }
0x74: {  	v3 =	vand.u32 $0x7, v3  }
0x75: {  	v3 =	vor.u32 v3, v4  }
0x76: {  	v4 =	vperm.xlane v3, v0;
	_ =	sdelay $0x1  }
0x77: {  	v4 =	vadd.s32 v1, v4;
	_ =	sdelay $0x3  }
0x78: {  	v3 =	vperm.xlane v3, v2  }
0x79: {  	[tilespmem:s18], [sflag:$0x3] =	stream.indirect_vreg.gather [hbm4b:s3+s2], $0x80, v4, vm0, $0xb8;
	[tilespmem:$0x1E400] =	vst v63  }
0x7a: {  	s31 =	simm.s32 $0x12C00;
	v3 =	vadd.s32 v1, v3  }
0x7b: {  	[tilespmem:s31], [sflag:$0x3] =	stream.indirect_vreg.gather [hbm4b:s5+s2], $0x80, v4, vm0, $0xb8;
	[tilespmem:$0x1E400] =	vst v63  }
0x7c: {  	s31 =	simm.s32 $0x13400  }
0x7d: {  	[tilespmem:s31], [sflag:$0x3] =	stream.indirect_vreg.gather [hbm4b:s6+s2], $0x80, v4, vm0, $0xb8;
	[tilespmem:$0x1E400] =	vst v63  }
0x7e: {  	s31 =	simm.s32 $0x13C00  }
0x7f: {  	[tilespmem:s31], [sflag:$0x3] =	stream.indirect_vreg.gather [hbm4b:s3+s2], $0x80, v3, vm0, $0xb8;
	[tilespmem:$0x1E400] =	vst v63  }
0x80: {  	s31 =	simm.s32 $0x14400  }
0x81: {  	[tilespmem:s31], [sflag:$0x3] =	stream.indirect_vreg.gather [hbm4b:s5+s2], $0x80, v3, vm0, $0xb8;
	[tilespmem:$0x1E400] =	vst v63  }
0x82: {  	s31 =	simm.s32 $0x14C00  }
0x83: {  	[tilespmem:s31], [sflag:$0x3] =	stream.indirect_vreg.gather [hbm4b:s6+s2], $0x80, v3, vm0, $0xb8;
	[tilespmem:$0x1E400] =	vst v63  }
0x84: {  	v3 =	vld [tilespmem:$0x50];
	_ =	sdelay $0x4  }
0x85: {  	v63 =	vshrl.u32 v3, $0x3  }
0x86: {  	v4 =	vmul.u32 $0x30, v63  }
0x87: {  	v3 =	vand.u32 $0x7, v3  }
0x88: {  	v3 =	vor.u32 v3, v4  }
0x89: {  	v4 =	vperm.xlane v3, v0;
	_ =	sdelay $0x1  }
0x8a: {  	v4 =	vadd.s32 v1, v4;
	_ =	sdelay $0x3  }
0x8b: {  	s31 =	simm.s32 $0x15400;
	v3 =	vperm.xlane v3, v2  }
0x8c: {  	[tilespmem:s31], [sflag:$0x3] =	stream.indirect_vreg.gather [hbm4b:s3+s2], $0x80, v4, vm0, $0xb8;
	[tilespmem:$0x1E400] =	vst v63  }
0x8d: {  	v3 =	vadd.s32 v1, v3;
	s31 =	simm.s32 $0x15C00  }
0x8e: {  	[tilespmem:s31], [sflag:$0x3] =	stream.indirect_vreg.gather [hbm4b:s5+s2], $0x80, v4, vm0, $0xb8;
	[tilespmem:$0x1E400] =	vst v63  }
0x8f: {  	s31 =	simm.s32 $0x16400  }
0x90: {  	[tilespmem:s31], [sflag:$0x3] =	stream.indirect_vreg.gather [hbm4b:s6+s2], $0x80, v4, vm0, $0xb8;
	[tilespmem:$0x1E400] =	vst v63  }
0x91: {  	s31 =	simm.s32 $0x16C00  }
0x92: {  	[tilespmem:s31], [sflag:$0x3] =	stream.indirect_vreg.gather [hbm4b:s3+s2], $0x80, v3, vm0, $0xb8;
	[tilespmem:$0x1E400] =	vst v63  }
0x93: {  	s31 =	simm.s32 $0x17400  }
0x94: {  	[tilespmem:s31], [sflag:$0x3] =	stream.indirect_vreg.gather [hbm4b:s5+s2], $0x80, v3, vm0, $0xb8;
	[tilespmem:$0x1E400] =	vst v63  }
0x95: {  	s29 =	simm.s32 $0x70;
	s30 =	simm.s32 $0x0;
	s31 =	simm.s32 $0x17C00  }
0x96: {  	[tilespmem:s31], [sflag:$0x3] =	stream.indirect_vreg.gather [hbm4b:s6+s2], $0x80, v3, vm0, $0xb8;
	[tilespmem:$0x1E400] =	vst v63  }
.LBB2_2:
0x97: {  	_ =	swait.ge [sflag:s1], $0x6000  }
0x98: {  	s31 =	sadd.s32 s30, s9;
	[sflag:s1] =	ssyncset.done $0x0  }
0x99: {  	s14 =	simm.s32 $0x6400;
	p0 =	seq.s32 s30, $0x0;
	[sflag:s1] =	ssyncadd.s32 $0xFFFFA000  }
0x9a: {  	[hbm4b:s31+s2] =	stream.linear.scatter [tilespmem:s14], [sflag:$0x5], $0x6000, $0x38;
	[tilespmem:$0x1E400] =	vst v63  }
0x9b: {  	s31 =	simm.s32 @!p0 $0x8  }
0x9c: {  	_ =	swait.ge @!p0 [sflag:s31], $0x6000  }
0x9d: {  	[sflag:s31] =	ssyncset.done @!p0 $0x0  }
0x9e: {  	[sflag:s31] =	ssyncadd.s32 @!p0 $0xFFFFA000  }
0x9f: {  	v3 =	vld [tilespmem:s29+$0xFFFFFFF0];
	_ =	sdelay $0x4  }
0xa0: {  	v4 =	vshrl.u32 v3, $0x3  }
0xa1: {  	v4 =	vmul.u32 $0x30, v4  }
0xa2: {  	v3 =	vand.u32 $0x7, v3  }
0xa3: {  	v3 =	vor.u32 v3, v4  }
0xa4: {  	v4 =	vperm.xlane v3, v0;
	_ =	sdelay $0x1  }
0xa5: {  	v4 =	vadd.s32 v1, v4;
	_ =	sdelay $0x3  }
0xa6: {  	v3 =	vperm.xlane v3, v2  }
0xa7: {  	[tilespmem:s0], [sflag:$0x4] =	stream.indirect_vreg.gather [hbm4b:s3+s2], $0x80, v4, vm0, $0xb8;
	[tilespmem:$0x1E400] =	vst v63  }
0xa8: {  	s31 =	simm.s32 $0x18C00;
	v3 =	vadd.s32 v1, v3  }
0xa9: {  	[tilespmem:s31], [sflag:$0x4] =	stream.indirect_vreg.gather [hbm4b:s5+s2], $0x80, v4, vm0, $0xb8;
	[tilespmem:$0x1E400] =	vst v63  }
0xaa: {  	_ = 	snop  }
0xab: {  	[tilespmem:s15], [sflag:$0x4] =	stream.indirect_vreg.gather [hbm4b:s6+s2], $0x80, v4, vm0, $0xb8;
	[tilespmem:$0x1E400] =	vst v63  }
0xac: {  	_ = 	snop  }
0xad: {  	[tilespmem:s16], [sflag:$0x4] =	stream.indirect_vreg.gather [hbm4b:s3+s2], $0x80, v3, vm0, $0xb8;
	[tilespmem:$0x1E400] =	vst v63  }
0xae: {  	_ = 	snop  }
0xaf: {  	[tilespmem:s17], [sflag:$0x4] =	stream.indirect_vreg.gather [hbm4b:s5+s2], $0x80, v3, vm0, $0xb8;
	[tilespmem:$0x1E400] =	vst v63  }
0xb0: {  	_ = 	snop  }
0xb1: {  	[tilespmem:s4], [sflag:$0x4] =	stream.indirect_vreg.gather [hbm4b:s6+s2], $0x80, v3, vm0, $0xb8;
	[tilespmem:$0x1E400] =	vst v63  }
0xb2: {  	v3 =	vld [tilespmem:s29+$0x0];
	_ =	sdelay $0x4  }
0xb3: {  	v63 =	vshrl.u32 v3, $0x3  }
0xb4: {  	v4 =	vmul.u32 $0x30, v63  }
0xb5: {  	v3 =	vand.u32 $0x7, v3  }
0xb6: {  	v3 =	vor.u32 v3, v4  }
0xb7: {  	v4 =	vperm.xlane v3, v0;
	_ =	sdelay $0x1  }
0xb8: {  	v4 =	vadd.s32 v1, v4;
	_ =	sdelay $0x3  }
0xb9: {  	v3 =	vperm.xlane v3, v2  }
0xba: {  	[tilespmem:s7], [sflag:$0x4] =	stream.indirect_vreg.gather [hbm4b:s3+s2], $0x80, v4, vm0, $0xb8;
	[tilespmem:$0x1E400] =	vst v63  }
0xbb: {  	v3 =	vadd.s32 v1, v3  }
0xbc: {  	[tilespmem:s12], [sflag:$0x4] =	stream.indirect_vreg.gather [hbm4b:s5+s2], $0x80, v4, vm0, $0xb8;
	[tilespmem:$0x1E400] =	vst v63  }
0xbd: {  	_ = 	snop  }
0xbe: {  	[tilespmem:s13], [sflag:$0x4] =	stream.indirect_vreg.gather [hbm4b:s6+s2], $0x80, v4, vm0, $0xb8;
	[tilespmem:$0x1E400] =	vst v63  }
0xbf: {  	_ = 	snop  }
0xc0: {  	[tilespmem:s25], [sflag:$0x4] =	stream.indirect_vreg.gather [hbm4b:s3+s2], $0x80, v3, vm0, $0xb8;
	[tilespmem:$0x1E400] =	vst v63  }
0xc1: {  	_ = 	snop  }
0xc2: {  	[tilespmem:s19], [sflag:$0x4] =	stream.indirect_vreg.gather [hbm4b:s5+s2], $0x80, v3, vm0, $0xb8;
	[tilespmem:$0x1E400] =	vst v63  }
0xc3: {  	_ = 	snop  }
0xc4: {  	[tilespmem:s20], [sflag:$0x4] =	stream.indirect_vreg.gather [hbm4b:s6+s2], $0x80, v3, vm0, $0xb8;
	[tilespmem:$0x1E400] =	vst v63  }
0xc5: {  	_ =	swait.ge [sflag:s21], $0x6000  }
0xc6: {  	[sflag:s21] =	ssyncset.done $0x0  }
0xc7: {  	s14 =	simm.s32 $0xC400;
	s31 =	sadd.s32 s30, s10;
	[sflag:s21] =	ssyncadd.s32 $0xFFFFA000  }
0xc8: {  	[hbm4b:s31+s2] =	stream.linear.scatter [tilespmem:s14], [sflag:$0x6], $0x6000, $0x38;
	[tilespmem:$0x1E400] =	vst v63  }
0xc9: {  	_ =	swait.ge [sflag:s22], $0x6000  }
0xca: {  	[sflag:s22] =	ssyncset.done $0x0  }
0xcb: {  	p0 =	seq.s32 s30, $0x255000;
	[sflag:s22] =	ssyncadd.s32 $0xFFFFA000  }
0xcc: {  	v3 =	vld @!p0 [tilespmem:s29+$0x10];
	_ =	sdelay $0x4  }
0xcd: {  	v4 =	vshrl.u32 @!p0 v3, $0x3  }
0xce: {  	v4 =	vmul.u32 @!p0 $0x30, v4  }
0xcf: {  	v5 =	vlaneseq.u32 @!p0;
	v3 =	vand.u32 @!p0 $0x7, v3  }
0xd0: {  	v6 =	vshrl.u32 @!p0 v5, $0x3;
	v3 =	vor.u32 @!p0 v3, v4;
	v4 =	vand.u32 @!p0 $0x7, v5  }
0xd1: {  	v6 =	vmul.u32 @!p0 $0x8, v6;
	v7 =	vperm.xlane @!p0 v3, v4;
	_ =	sdelay $0x1  }
0xd2: {  	v7 =	vadd.s32 @!p0 v6, v7;
	_ =	sdelay $0x2  }
0xd3: {  	v5 =	vor.u32 @!p0 $0x8, v5  }
0xd4: {  	vm1 =	vmmov @!p0 $0xffff;
	s31 =	simm.s32 @!p0 $0x0;
	s14 =	simm.s32 @!p0 $0x6400;
	v3 =	vperm.xlane @!p0 v3, v5  }
0xd5: {  	[tilespmem:s14], [sflag:$0x1] =	stream.indirect_vreg.gather @!p0 [hbm4b:s3+s31], $0x80, v7, vm1, $0xb8;
	[tilespmem:$0x1E400] =	vst v63  }
0xd6: {  	v3 =	vadd.s32 @!p0 v6, v3;
	s14 =	simm.s32 @!p0 $0x6C00  }
0xd7: {  	[tilespmem:s14], [sflag:$0x1] =	stream.indirect_vreg.gather @!p0 [hbm4b:s5+s31], $0x80, v7, vm1, $0xb8;
	[tilespmem:$0x1E400] =	vst v63  }
0xd8: {  	s14 =	simm.s32 @!p0 $0x7400  }
0xd9: {  	[tilespmem:s14], [sflag:$0x1] =	stream.indirect_vreg.gather @!p0 [hbm4b:s6+s31], $0x80, v7, vm1, $0xb8;
	[tilespmem:$0x1E400] =	vst v63  }
0xda: {  	s14 =	simm.s32 @!p0 $0x7C00  }
0xdb: {  	[tilespmem:s14], [sflag:$0x1] =	stream.indirect_vreg.gather @!p0 [hbm4b:s3+s31], $0x80, v3, vm1, $0xb8;
	[tilespmem:$0x1E400] =	vst v63  }
0xdc: {  	s14 =	simm.s32 @!p0 $0x8400  }
0xdd: {  	[tilespmem:s14], [sflag:$0x1] =	stream.indirect_vreg.gather @!p0 [hbm4b:s5+s31], $0x80, v3, vm1, $0xb8;
	[tilespmem:$0x1E400] =	vst v63  }
0xde: {  	s14 =	simm.s32 @!p0 $0x8C00  }
0xdf: {  	[tilespmem:s14], [sflag:$0x1] =	stream.indirect_vreg.gather @!p0 [hbm4b:s6+s31], $0x80, v3, vm1, $0xb8;
	[tilespmem:$0x1E400] =	vst v63  }
0xe0: {  	v3 =	vld @!p0 [tilespmem:s29+$0x20];
	_ =	sdelay $0x4  }
0xe1: {  	v7 =	vshrl.u32 @!p0 v3, $0x3  }
0xe2: {  	v7 =	vmul.u32 @!p0 $0x30, v7  }
0xe3: {  	v3 =	vand.u32 @!p0 $0x7, v3  }
0xe4: {  	v3 =	vor.u32 @!p0 v3, v7  }
0xe5: {  	v7 =	vperm.xlane @!p0 v3, v4;
	_ =	sdelay $0x1  }
0xe6: {  	v7 =	vadd.s32 @!p0 v6, v7;
	_ =	sdelay $0x3  }
0xe7: {  	s14 =	simm.s32 @!p0 $0x9400;
	v3 =	vperm.xlane @!p0 v3, v5  }
0xe8: {  	[tilespmem:s14], [sflag:$0x1] =	stream.indirect_vreg.gather @!p0 [hbm4b:s3+s31], $0x80, v7, vm1, $0xb8;
	[tilespmem:$0x1E400] =	vst v63  }
0xe9: {  	v3 =	vadd.s32 @!p0 v6, v3;
	s14 =	simm.s32 @!p0 $0x9C00  }
0xea: {  	[tilespmem:s14], [sflag:$0x1] =	stream.indirect_vreg.gather @!p0 [hbm4b:s5+s31], $0x80, v7, vm1, $0xb8;
	[tilespmem:$0x1E400] =	vst v63  }
0xeb: {  	s14 =	simm.s32 @!p0 $0xA400  }
0xec: {  	[tilespmem:s14], [sflag:$0x1] =	stream.indirect_vreg.gather @!p0 [hbm4b:s6+s31], $0x80, v7, vm1, $0xb8;
	[tilespmem:$0x1E400] =	vst v63  }
0xed: {  	s14 =	simm.s32 @!p0 $0xAC00  }
0xee: {  	[tilespmem:s14], [sflag:$0x1] =	stream.indirect_vreg.gather @!p0 [hbm4b:s3+s31], $0x80, v3, vm1, $0xb8;
	[tilespmem:$0x1E400] =	vst v63  }
0xef: {  	s14 =	simm.s32 @!p0 $0xB400  }
0xf0: {  	[tilespmem:s14], [sflag:$0x1] =	stream.indirect_vreg.gather @!p0 [hbm4b:s5+s31], $0x80, v3, vm1, $0xb8;
	[tilespmem:$0x1E400] =	vst v63  }
0xf1: {  	s14 =	simm.s32 @!p0 $0xBC00  }
0xf2: {  	[tilespmem:s14], [sflag:$0x1] =	stream.indirect_vreg.gather @!p0 [hbm4b:s6+s31], $0x80, v3, vm1, $0xb8;
	[tilespmem:$0x1E400] =	vst v63  }
0xf3: {  	_ =	swait.ge [sflag:s23], $0x6000  }
0xf4: {  	[sflag:s23] =	ssyncset.done $0x0  }
0xf5: {  	s14 =	sadd.s32 s30, s11;
	[sflag:s23] =	ssyncadd.s32 $0xFFFFA000  }
0xf6: {  	[hbm4b:s14+s2] =	stream.linear.scatter [tilespmem:s18], [sflag:$0x7], $0x6000, $0x38;
	[tilespmem:$0x1E400] =	vst v63  }
0xf7: {  	_ =	swait.ge [sflag:s24], $0x6000  }
0xf8: {  	[sflag:s24] =	ssyncset.done $0x0  }
0xf9: {  	[sflag:s24] =	ssyncadd.s32 $0xFFFFA000  }
0xfa: {  	v3 =	vld @!p0 [tilespmem:s29+$0x30];
	_ =	sdelay $0x4  }
0xfb: {  	v7 =	vshrl.u32 @!p0 v3, $0x3  }
0xfc: {  	v7 =	vmul.u32 @!p0 $0x30, v7  }
0xfd: {  	v3 =	vand.u32 @!p0 $0x7, v3  }
0xfe: {  	v3 =	vor.u32 @!p0 v3, v7  }
0xff: {  	v7 =	vperm.xlane @!p0 v3, v4;
	_ =	sdelay $0x1  }
0x100: {  	v7 =	vadd.s32 @!p0 v6, v7;
	_ =	sdelay $0x3  }
0x101: {  	s14 =	simm.s32 @!p0 $0xC400;
	v3 =	vperm.xlane @!p0 v3, v5  }
0x102: {  	[tilespmem:s14], [sflag:$0x2] =	stream.indirect_vreg.gather @!p0 [hbm4b:s3+s31], $0x80, v7, vm1, $0xb8;
	[tilespmem:$0x1E400] =	vst v63  }
0x103: {  	v3 =	vadd.s32 @!p0 v6, v3;
	s14 =	simm.s32 @!p0 $0xCC00  }
0x104: {  	[tilespmem:s14], [sflag:$0x2] =	stream.indirect_vreg.gather @!p0 [hbm4b:s5+s31], $0x80, v7, vm1, $0xb8;
	[tilespmem:$0x1E400] =	vst v63  }
0x105: {  	s14 =	simm.s32 @!p0 $0xD400  }
0x106: {  	[tilespmem:s14], [sflag:$0x2] =	stream.indirect_vreg.gather @!p0 [hbm4b:s6+s31], $0x80, v7, vm1, $0xb8;
	[tilespmem:$0x1E400] =	vst v63  }
0x107: {  	s14 =	simm.s32 @!p0 $0xDC00  }
0x108: {  	[tilespmem:s14], [sflag:$0x2] =	stream.indirect_vreg.gather @!p0 [hbm4b:s3+s31], $0x80, v3, vm1, $0xb8;
	[tilespmem:$0x1E400] =	vst v63  }
0x109: {  	s14 =	simm.s32 @!p0 $0xE400  }
0x10a: {  	[tilespmem:s14], [sflag:$0x2] =	stream.indirect_vreg.gather @!p0 [hbm4b:s5+s31], $0x80, v3, vm1, $0xb8;
	[tilespmem:$0x1E400] =	vst v63  }
0x10b: {  	s14 =	simm.s32 @!p0 $0xEC00  }
0x10c: {  	[tilespmem:s14], [sflag:$0x2] =	stream.indirect_vreg.gather @!p0 [hbm4b:s6+s31], $0x80, v3, vm1, $0xb8;
	[tilespmem:$0x1E400] =	vst v63  }
0x10d: {  	v3 =	vld @!p0 [tilespmem:s29+$0x40];
	_ =	sdelay $0x4  }
0x10e: {  	v7 =	vshrl.u32 @!p0 v3, $0x3  }
0x10f: {  	v7 =	vmul.u32 @!p0 $0x30, v7  }
0x110: {  	v3 =	vand.u32 @!p0 $0x7, v3  }
0x111: {  	v3 =	vor.u32 @!p0 v3, v7  }
0x112: {  	v4 =	vperm.xlane @!p0 v3, v4;
	_ =	sdelay $0x1  }
0x113: {  	v4 =	vadd.s32 @!p0 v6, v4;
	_ =	sdelay $0x3  }
0x114: {  	s14 =	simm.s32 @!p0 $0xF400;
	v3 =	vperm.xlane @!p0 v3, v5  }
0x115: {  	[tilespmem:s14], [sflag:$0x2] =	stream.indirect_vreg.gather @!p0 [hbm4b:s3+s31], $0x80, v4, vm1, $0xb8;
	[tilespmem:$0x1E400] =	vst v63  }
0x116: {  	v3 =	vadd.s32 @!p0 v6, v3;
	s14 =	simm.s32 @!p0 $0xFC00  }
0x117: {  	[tilespmem:s14], [sflag:$0x2] =	stream.indirect_vreg.gather @!p0 [hbm4b:s5+s31], $0x80, v4, vm1, $0xb8;
	[tilespmem:$0x1E400] =	vst v63  }
0x118: {  	s14 =	simm.s32 @!p0 $0x10400  }
0x119: {  	[tilespmem:s14], [sflag:$0x2] =	stream.indirect_vreg.gather @!p0 [hbm4b:s6+s31], $0x80, v4, vm1, $0xb8;
	[tilespmem:$0x1E400] =	vst v63  }
0x11a: {  	s14 =	simm.s32 @!p0 $0x10C00  }
0x11b: {  	[tilespmem:s14], [sflag:$0x2] =	stream.indirect_vreg.gather @!p0 [hbm4b:s3+s31], $0x80, v3, vm1, $0xb8;
	[tilespmem:$0x1E400] =	vst v63  }
0x11c: {  	s14 =	simm.s32 @!p0 $0x11400  }
0x11d: {  	[tilespmem:s14], [sflag:$0x2] =	stream.indirect_vreg.gather @!p0 [hbm4b:s5+s31], $0x80, v3, vm1, $0xb8;
	[tilespmem:$0x1E400] =	vst v63  }
0x11e: {  	s14 =	simm.s32 @!p0 $0x11C00  }
0x11f: {  	[tilespmem:s14], [sflag:$0x2] =	stream.indirect_vreg.gather @!p0 [hbm4b:s6+s31], $0x80, v3, vm1, $0xb8;
	[tilespmem:$0x1E400] =	vst v63  }
0x120: {  	_ =	swait.ge [sflag:s26], $0x6000  }
0x121: {  	[sflag:s26] =	ssyncset.done $0x0  }
.Ltmp2:
0x122: {  	s31 =	sadd.s32 s30, s8;
	[sflag:s26] =	ssyncadd.s32 $0xFFFFA000;
	(pc) =	sbr.rel @p0 .LBB2_4-.Ltmp2, $4  }
0x123: {  	[hbm4b:s31+s2] =	stream.linear.scatter [tilespmem:s0], [sflag:$0x8], $0x6000, $0x38;
	[tilespmem:$0x1E400] =	vst v63  }
0x124: {  	_ =	swait.ge [sflag:s28], $0x6000  }
0x125: {  	[sflag:s28] =	ssyncset.done $0x0  }
0x126: {  	[sflag:s28] =	ssyncadd.s32 $0xFFFFA000  }
0x127: {  	v3 =	vld [tilespmem:s29+$0x50];
	_ =	sdelay $0x4  }
0x128: {  	v4 =	vshrl.u32 v3, $0x3  }
0x129: {  	v4 =	vmul.u32 $0x30, v4  }
0x12a: {  	v3 =	vand.u32 $0x7, v3  }
0x12b: {  	v3 =	vor.u32 v3, v4  }
0x12c: {  	v4 =	vperm.xlane v3, v0;
	_ =	sdelay $0x1  }
0x12d: {  	v4 =	vadd.s32 v1, v4;
	_ =	sdelay $0x3  }
0x12e: {  	v3 =	vperm.xlane v3, v2  }
0x12f: {  	[tilespmem:s18], [sflag:$0x3] =	stream.indirect_vreg.gather [hbm4b:s3+s2], $0x80, v4, vm0, $0xb8;
	[tilespmem:$0x1E400] =	vst v63  }
0x130: {  	s14 =	simm.s32 $0x12C00;
	v3 =	vadd.s32 v1, v3  }
0x131: {  	[tilespmem:s14], [sflag:$0x3] =	stream.indirect_vreg.gather [hbm4b:s5+s2], $0x80, v4, vm0, $0xb8;
	[tilespmem:$0x1E400] =	vst v63  }
0x132: {  	s31 =	simm.s32 $0x13400  }
0x133: {  	[tilespmem:s31], [sflag:$0x3] =	stream.indirect_vreg.gather [hbm4b:s6+s2], $0x80, v4, vm0, $0xb8;
	[tilespmem:$0x1E400] =	vst v63  }
0x134: {  	s31 =	simm.s32 $0x13C00  }
0x135: {  	[tilespmem:s31], [sflag:$0x3] =	stream.indirect_vreg.gather [hbm4b:s3+s2], $0x80, v3, vm0, $0xb8;
	[tilespmem:$0x1E400] =	vst v63  }
0x136: {  	s31 =	simm.s32 $0x14400  }
0x137: {  	[tilespmem:s31], [sflag:$0x3] =	stream.indirect_vreg.gather [hbm4b:s5+s2], $0x80, v3, vm0, $0xb8;
	[tilespmem:$0x1E400] =	vst v63  }
0x138: {  	s31 =	simm.s32 $0x14C00  }
0x139: {  	[tilespmem:s31], [sflag:$0x3] =	stream.indirect_vreg.gather [hbm4b:s6+s2], $0x80, v3, vm0, $0xb8;
	[tilespmem:$0x1E400] =	vst v63  }
0x13a: {  	v3 =	vld [tilespmem:s29+$0x60];
	_ =	sdelay $0x4  }
0x13b: {  	v63 =	vshrl.u32 v3, $0x3  }
0x13c: {  	v4 =	vmul.u32 $0x30, v63  }
0x13d: {  	v3 =	vand.u32 $0x7, v3  }
0x13e: {  	v3 =	vor.u32 v3, v4  }
0x13f: {  	v4 =	vperm.xlane v3, v0;
	_ =	sdelay $0x1  }
0x140: {  	v4 =	vadd.s32 v1, v4;
	_ =	sdelay $0x3  }
0x141: {  	s31 =	simm.s32 $0x15400;
	v3 =	vperm.xlane v3, v2  }
0x142: {  	[tilespmem:s31], [sflag:$0x3] =	stream.indirect_vreg.gather [hbm4b:s3+s2], $0x80, v4, vm0, $0xb8;
	[tilespmem:$0x1E400] =	vst v63  }
0x143: {  	v3 =	vadd.s32 v1, v3;
	s31 =	simm.s32 $0x15C00  }
0x144: {  	[tilespmem:s31], [sflag:$0x3] =	stream.indirect_vreg.gather [hbm4b:s5+s2], $0x80, v4, vm0, $0xb8;
	[tilespmem:$0x1E400] =	vst v63  }
0x145: {  	s31 =	simm.s32 $0x16400  }
0x146: {  	[tilespmem:s31], [sflag:$0x3] =	stream.indirect_vreg.gather [hbm4b:s6+s2], $0x80, v4, vm0, $0xb8;
	[tilespmem:$0x1E400] =	vst v63  }
0x147: {  	s31 =	simm.s32 $0x16C00  }
0x148: {  	[tilespmem:s31], [sflag:$0x3] =	stream.indirect_vreg.gather [hbm4b:s3+s2], $0x80, v3, vm0, $0xb8;
	[tilespmem:$0x1E400] =	vst v63  }
.Ltmp3:
0x149: {  	_ = 	snop;
	(pc) =	sbr.rel .LBB2_2-.Ltmp3, $4  }
0x14a: {  	s31 =	simm.s32 $0x17400  }
0x14b: {  	[tilespmem:s31], [sflag:$0x3] =	stream.indirect_vreg.gather [hbm4b:s5+s2], $0x80, v3, vm0, $0xb8;
	[tilespmem:$0x1E400] =	vst v63  }
0x14c: {  	s30 =	sadd.s32 $0x3000, s30;
	s29 =	sadd.s32 $0x80, s29;
	s31 =	simm.s32 $0x17C00  }
0x14d: {  	[tilespmem:s31], [sflag:$0x3] =	stream.indirect_vreg.gather [hbm4b:s6+s2], $0x80, v3, vm0, $0xb8;
	[tilespmem:$0x1E400] =	vst v63  }
.LBB2_5:
0x14e: {  	_ =	sfence.sel $0x180000  }
0x14f: {  	[bflag:$0x0] =	sbarrier.arrive $0xFFFF  }
0x150: {  	_ =	strace $0x90000047  }
0x151: {  	s0 =	stileid.u32;
	[bflag:$0x2] =	sbarrier.arrive $0xFFFF  }
0x152: {  	p0 =	sne.s32 s0, $0x0;
	s0 =	rddreg [dreg:$0x2]  }
0x153: {  	s0 =	sadd.s32 @!p0 $0x100000, s0  }
0x154: {  	[sflag:s0] =	ssyncadd.tile.s32 @!p0 $0x1;
	_ =	shalt  }
.Lfunc_end2:
_tile_overlayer_lowered:
.L_overlay_start_2:
0x155: {  	(tag) =	ssettag $0x2  }
0x156: {  	s0 =	rddreg [dreg:$0x0];
	s2 =	stileid.u32  }
0x157: {  	s1 =	rddreg [dreg:$0x1];
	p0 =	sne.s32 s2, $0x0  }
0x158: {  	s3 =	rddreg [dreg:$0x2];
	[bflag:$0x3] =	sbarrier.arrive $0xFFFF;
	s2 =	simm.s32 @!p0 $0x1C09  }
0x159: {  	[timem:s3], [sflag:s2] =	dma.local @!p0 [hbm:s0], s1  }
0x15a: {  	s0 =	simm.s32 @!p0 $0x9  }
0x15b: {  	_ =	swait.ge @!p0 [sflag:s0], s1  }
0x15c: {  	s1 =	ssub.s32 @!p0 $0x0, s1;
	[sflag:s0] =	ssyncset.done @!p0 $0x0  }
0x15d: {  	[sflag:s0] =	ssyncadd.s32 @!p0 s1  }
0x15e: {  	[bflag:$0x3] =	sbarrier.arrive $0xFFFF  }
0x15f: {  	_ =	shalt  }

</sc_bundles>
